<compile_context>
chip_gen: v7x
topology: tpu7x:2x2x1
jax: 0.10.2.dev20260603
libtpu: 0.0.44.dev20260713+nightly
codegen_flags: <defaults>
</compile_context>

<pallas_src>
import functools

import jax
import jax.numpy as jnp
from jax import lax
from jax.experimental import pallas as pl
from jax.experimental.pallas import tpu as pltpu
from jax.experimental.pallas import tpu_sc as plsc

BATCH, SEQ, D = 4096, 200, 64
VOCAB = 1_000_000
NC, NS = 2, 16
NW = NC * NS
LANES = 16

_MESH = plsc.VectorSubcoreMesh(core_axis_name="c", subcore_axis_name="s")


@functools.partial(
    pl.kernel,
    out_type=jax.ShapeDtypeStruct((SEQ, D, BATCH), jnp.float32),
    mesh=_MESH,
    scratch_types=[
        pltpu.VMEM((SEQ, 128), jnp.int32),
        pltpu.VMEM((2, 128), jnp.int32),
        pltpu.VMEM((2, 128), jnp.int32),
        pltpu.VMEM((2, 128, 2 * D), jnp.float32),
        pltpu.VMEM((2, D, 128), jnp.float32),
        pltpu.SemaphoreType.DMA,
        pltpu.SemaphoreType.DMA,
        pltpu.SemaphoreType.DMA,
        pltpu.SemaphoreType.DMA,
    ],
    compiler_params=pltpu.CompilerParams(
        needs_layout_passes=False,
        skip_device_barrier=True,
        disable_bounds_checks=True,
        disable_semaphore_checks=True,
    ),
)
def _sc_embed(xt_hbm, tpair_hbm, out_hbm, xblk_v, qidx_v, pcol_v, pair_v,
              tout_v, sg0, sg1, so0, so1):
    wid = lax.axis_index("s") * NC + lax.axis_index("c")
    b0 = wid * 128
    sem_g = (sg0, sg1)
    sem_o = (so0, so1)

    pltpu.sync_copy(xt_hbm.at[:, pl.ds(b0, 128)], xblk_v)

    def stage_idx(t, p):
        for c in range(8):
            v = xblk_v[t, pl.ds(c * LANES, LANES)]
            qidx_v[p, pl.ds(c * LANES, LANES)] = lax.shift_right_logical(v, 1)
            pcol_v[p, pl.ds(c * LANES, LANES)] = (v & 1) * D

    def fire(p):
        pltpu.make_async_copy(
            tpair_hbm.at[qidx_v.at[p]], pair_v.at[p], sem_g[p]).start()

    def drain(p):
        pltpu.make_async_copy(
            tpair_hbm.at[qidx_v.at[p]], pair_v.at[p], sem_g[p]).wait()

    def select_transpose(p):
        def dchunk(d4, carry):
            vals = []
            for c in range(8):
                rows_c = lax.iota(jnp.int32, LANES) + c * LANES
                colb_c = pcol_v[p, pl.ds(c * LANES, LANES)]
                for dd in range(4):
                    vals.append(plsc.load_gather(
                        pair_v.at[p], [rows_c, colb_c + (d4 + dd)]))
            k = 0
            for c in range(8):
                for dd in range(4):
                    tout_v[p, d4 + dd, pl.ds(c * LANES, LANES)] = vals[k]
                    k += 1
            return carry

        lax.fori_loop(0, D // 4, lambda i, cc: dchunk(i * 4, cc), 0)

    def write(t, p):
        pltpu.make_async_copy(
            tout_v.at[p], out_hbm.at[t, :, pl.ds(b0, 128)], sem_o[p]).start()

    def wait_write(t, p):
        pltpu.make_async_copy(
            tout_v.at[p], out_hbm.at[t, :, pl.ds(b0, 128)], sem_o[p]).wait()

    stage_idx(0, 0)
    fire(0)

    def body2(u, carry):
        for par in (0, 1):
            t = 2 * u + par

            @pl.when(t < SEQ - 1)
            def _():
                stage_idx(t + 1, 1 - par)
                fire(1 - par)

            drain(par)

            @pl.when(t >= 2)
            def _():
                wait_write(t - 2, par)

            select_transpose(par)
            write(t, par)
        return carry

    lax.fori_loop(0, SEQ // 2, body2, 0)

    wait_write(SEQ - 2, 0)
    wait_write(SEQ - 1, 1)


def kernel(x, table):
    xt = x.T
    tpair = table.reshape(VOCAB // 2, 2 * D)
    out_t = _sc_embed(xt, tpair)
    return out_t.transpose(2, 0, 1)

# --- scband reference (transcript-rebuilt; emitter-appended) ---
"""Pipeline reference for scband-embedder-69114613729782 (READ-ONLY COPY).

The authoritative reference and input builder live on the scoring server;
editing this copy changes nothing except your own understanding.
"""

import jax, jax.numpy as jnp
import numpy as np

VOCAB = 1000000
D_MODEL = 64
PAD_IDX = 0
BATCH = 4096
SEQ = 200


def setup_inputs(seed: int = 0) -> dict:
    key = jax.random.key(seed)
    k1, k2 = jax.random.split(key)
    x = jax.random.randint(k1, (BATCH, SEQ), 0, VOCAB).astype(jnp.int32)
    # nn.Embedding weight ~ N(0,1); padding_idx row initialized to zeros
    table = jax.random.normal(k2, (VOCAB, D_MODEL), dtype=jnp.float32)
    table = table.at[PAD_IDX].set(0.0)
    return {"x": x, "table": table}


def reference(x, table):
    # Embedder.forward: return self.embed(x) -> gather rows of the table
    return jnp.take(table, x, axis=0)

if __name__ == "__main__":
    import jax
    _d = setup_inputs()
    print(jax.jit(kernel)(*tuple(_d.values())))

</pallas_src>

<mosaic_0001>
#map = affine_map<(d0, d1) -> (0, 0)>
#map1 = affine_map<(d0, d1) -> (0, 0, 0)>
module attributes {stable_mosaic.version = 14 : i64} {
  func.func @_sc_embed(%arg0: i32, %arg1: i32, %arg2: memref<200x4096xi32, #tpu.memory_space<hbm>>, %arg3: memref<500000x128xf32, #tpu.memory_space<hbm>>, %arg4: memref<200x64x4096xf32, #tpu.memory_space<hbm>>, %arg5: memref<200x128xi32, #tpu.memory_space<vmem>>, %arg6: memref<2x128xi32, #tpu.memory_space<vmem>>, %arg7: memref<2x128xi32, #tpu.memory_space<vmem>>, %arg8: memref<2x128x128xf32, #tpu.memory_space<vmem>>, %arg9: memref<2x64x128xf32, #tpu.memory_space<vmem>>, %arg10: memref<!tpu.dma_semaphore, #tpu.memory_space<semaphore_mem>>, %arg11: memref<!tpu.dma_semaphore, #tpu.memory_space<semaphore_mem>>, %arg12: memref<!tpu.dma_semaphore, #tpu.memory_space<semaphore_mem>>, %arg13: memref<!tpu.dma_semaphore, #tpu.memory_space<semaphore_mem>>) attributes {dimension_semantics = [#tpu.dimension_semantics<core_parallel>, #tpu.dimension_semantics<subcore_parallel>], iteration_bounds = array<i64: 2, 16>, scalar_prefetch = 0 : i64, scratch_operands = 9 : i64, tpu.core_type = #tpu.core_type<sc_vector_subcore>, window_params = [{transform_indices = #map}, {transform_indices = #map}, {transform_indices = #map1}]} {
    %mul3A = arith.constant 2 : i32
    %mul3A_0 = arith.muli %arg1, %mul3A : i32
    %add3A = arith.addi %mul3A_0, %arg0 : i32
    %mul3A_1 = arith.constant 128 : i32
    %mul3A_2 = arith.muli %add3A, %mul3A_1 : i32
    "tpu.region"() ({
      %run_scoped3A = tpu.sem_alloc : memref<!tpu.dma_semaphore, #tpu.memory_space<semaphore_mem>>
      %dma_start3A_214 = arith.constant 0 : i32
      %dma_start3A_215 = tpu.memref_slice %arg2[%dma_start3A_214, %mul3A_2] : memref<200x4096xi32, #tpu.memory_space<hbm>> -> memref<200x128xi32, #tpu.memory_space<hbm>>
      %dma_start3A_216 = arith.constant 0 : i32
      %dma_start3A_217 = tpu.memref_slice %arg2[%dma_start3A_216, %mul3A_2] : memref<200x4096xi32, #tpu.memory_space<hbm>> -> memref<200x128xi32, #tpu.memory_space<hbm>>
      tpu.enqueue_dma source(%dma_start3A_217 : memref<200x128xi32, #tpu.memory_space<hbm>>) target(%arg5 : memref<200x128xi32, #tpu.memory_space<vmem>>) target_semaphore(%run_scoped3A : memref<!tpu.dma_semaphore, #tpu.memory_space<semaphore_mem>>)
      %dma_wait3A_218 = arith.constant 0 : i32
      %dma_wait3A_219 = tpu.memref_slice %arg2[%dma_wait3A_218, %mul3A_2] : memref<200x4096xi32, #tpu.memory_space<hbm>> -> memref<200x128xi32, #tpu.memory_space<hbm>>
      %dma_wait3A_220 = arith.constant 0 : i32
      %dma_wait3A_221 = tpu.memref_slice %arg2[%dma_wait3A_220, %mul3A_2] : memref<200x4096xi32, #tpu.memory_space<hbm>> -> memref<200x128xi32, #tpu.memory_space<hbm>>
      tpu.wait_dma2 semaphore(%run_scoped3A : memref<!tpu.dma_semaphore, #tpu.memory_space<semaphore_mem>>) src(%dma_wait3A_221 : memref<200x128xi32, #tpu.memory_space<hbm>>) dst(%arg5 : memref<200x128xi32, #tpu.memory_space<vmem>>)
      tpu.yield
    }) : () -> ()
    %get3A = arith.constant 0 : i32
    %get3A_3 = arith.index_cast %get3A : i32 to index
    %get3A_4 = arith.constant 0 : index
    %get3A_5 = tpu.vector_load %arg5[%get3A_3, %get3A_4] {strides = array<i32>} : memref<200x128xi32, #tpu.memory_space<vmem>>, vector<16xi32>,
    %shift_right_logical3A = arith.constant 1 : i32
    %shift_right_logical3A_6 = vector.broadcast %shift_right_logical3A : i32 to vector<16xi32>
    %shift_right_logical3A_7 = arith.shrui %get3A_5, %shift_right_logical3A_6 : vector<16xi32>
    %swap3A = arith.constant 0 : i32
    %swap3A_8 = arith.index_cast %swap3A : i32 to index
    %swap3A_9 = arith.constant 0 : index
    %swap3A_10 = tpu.vector_load %arg6[%swap3A_8, %swap3A_9] {strides = array<i32>} : memref<2x128xi32, #tpu.memory_space<vmem>>, vector<16xi32>,
    tpu.vector_store %arg6[%swap3A_8, %swap3A_9], %shift_right_logical3A_7 {strides = array<i32>} : memref<2x128xi32, #tpu.memory_space<vmem>>, vector<16xi32>,
    %and3A = arith.constant 1 : i32
    %and3A_11 = vector.broadcast %and3A : i32 to vector<16xi32>
    %and3A_12 = arith.andi %get3A_5, %and3A_11 : vector<16xi32>
    %mul3A_13 = arith.constant 64 : i32
    %mul3A_14 = vector.broadcast %mul3A_13 : i32 to vector<16xi32>
    %mul3A_15 = arith.muli %and3A_12, %mul3A_14 : vector<16xi32>
    %swap3A_16 = arith.constant 0 : i32
    %swap3A_17 = arith.index_cast %swap3A_16 : i32 to index
    %swap3A_18 = arith.constant 0 : index
    %swap3A_19 = tpu.vector_load %arg7[%swap3A_17, %swap3A_18] {strides = array<i32>} : memref<2x128xi32, #tpu.memory_space<vmem>>, vector<16xi32>,
    tpu.vector_store %arg7[%swap3A_17, %swap3A_18], %mul3A_15 {strides = array<i32>} : memref<2x128xi32, #tpu.memory_space<vmem>>, vector<16xi32>,
    %get3A_20 = arith.constant 0 : i32
    %get3A_21 = arith.index_cast %get3A_20 : i32 to index
    %get3A_22 = arith.constant 16 : index
    %get3A_23 = tpu.vector_load %arg5[%get3A_21, %get3A_22] {strides = array<i32>} : memref<200x128xi32, #tpu.memory_space<vmem>>, vector<16xi32>,
    %shift_right_logical3A_24 = arith.constant 1 : i32
    %shift_right_logical3A_25 = vector.broadcast %shift_right_logical3A_24 : i32 to vector<16xi32>
    %shift_right_logical3A_26 = arith.shrui %get3A_23, %shift_right_logical3A_25 : vector<16xi32>
    %swap3A_27 = arith.constant 0 : i32
    %swap3A_28 = arith.index_cast %swap3A_27 : i32 to index
    %swap3A_29 = arith.constant 16 : index
    %swap3A_30 = tpu.vector_load %arg6[%swap3A_28, %swap3A_29] {strides = array<i32>} : memref<2x128xi32, #tpu.memory_space<vmem>>, vector<16xi32>,
    tpu.vector_store %arg6[%swap3A_28, %swap3A_29], %shift_right_logical3A_26 {strides = array<i32>} : memref<2x128xi32, #tpu.memory_space<vmem>>, vector<16xi32>,
    %and3A_31 = arith.constant 1 : i32
    %and3A_32 = vector.broadcast %and3A_31 : i32 to vector<16xi32>
    %and3A_33 = arith.andi %get3A_23, %and3A_32 : vector<16xi32>
    %mul3A_34 = arith.constant 64 : i32
    %mul3A_35 = vector.broadcast %mul3A_34 : i32 to vector<16xi32>
    %mul3A_36 = arith.muli %and3A_33, %mul3A_35 : vector<16xi32>
    %swap3A_37 = arith.constant 0 : i32
    %swap3A_38 = arith.index_cast %swap3A_37 : i32 to index
    %swap3A_39 = arith.constant 16 : index
    %swap3A_40 = tpu.vector_load %arg7[%swap3A_38, %swap3A_39] {strides = array<i32>} : memref<2x128xi32, #tpu.memory_space<vmem>>, vector<16xi32>,
    tpu.vector_store %arg7[%swap3A_38, %swap3A_39], %mul3A_36 {strides = array<i32>} : memref<2x128xi32, #tpu.memory_space<vmem>>, vector<16xi32>,
    %get3A_41 = arith.constant 0 : i32
    %get3A_42 = arith.index_cast %get3A_41 : i32 to index
    %get3A_43 = arith.constant 32 : index
    %get3A_44 = tpu.vector_load %arg5[%get3A_42, %get3A_43] {strides = array<i32>} : memref<200x128xi32, #tpu.memory_space<vmem>>, vector<16xi32>,
    %shift_right_logical3A_45 = arith.constant 1 : i32
    %shift_right_logical3A_46 = vector.broadcast %shift_right_logical3A_45 : i32 to vector<16xi32>
    %shift_right_logical3A_47 = arith.shrui %get3A_44, %shift_right_logical3A_46 : vector<16xi32>
    %swap3A_48 = arith.constant 0 : i32
    %swap3A_49 = arith.index_cast %swap3A_48 : i32 to index
    %swap3A_50 = arith.constant 32 : index
    %swap3A_51 = tpu.vector_load %arg6[%swap3A_49, %swap3A_50] {strides = array<i32>} : memref<2x128xi32, #tpu.memory_space<vmem>>, vector<16xi32>,
    tpu.vector_store %arg6[%swap3A_49, %swap3A_50], %shift_right_logical3A_47 {strides = array<i32>} : memref<2x128xi32, #tpu.memory_space<vmem>>, vector<16xi32>,
    %and3A_52 = arith.constant 1 : i32
    %and3A_53 = vector.broadcast %and3A_52 : i32 to vector<16xi32>
    %and3A_54 = arith.andi %get3A_44, %and3A_53 : vector<16xi32>
    %mul3A_55 = arith.constant 64 : i32
    %mul3A_56 = vector.broadcast %mul3A_55 : i32 to vector<16xi32>
    %mul3A_57 = arith.muli %and3A_54, %mul3A_56 : vector<16xi32>
    %swap3A_58 = arith.constant 0 : i32
    %swap3A_59 = arith.index_cast %swap3A_58 : i32 to index
    %swap3A_60 = arith.constant 32 : index
    %swap3A_61 = tpu.vector_load %arg7[%swap3A_59, %swap3A_60] {strides = array<i32>} : memref<2x128xi32, #tpu.memory_space<vmem>>, vector<16xi32>,
    tpu.vector_store %arg7[%swap3A_59, %swap3A_60], %mul3A_57 {strides = array<i32>} : memref<2x128xi32, #tpu.memory_space<vmem>>, vector<16xi32>,
    %get3A_62 = arith.constant 0 : i32
    %get3A_63 = arith.index_cast %get3A_62 : i32 to index
    %get3A_64 = arith.constant 48 : index
    %get3A_65 = tpu.vector_load %arg5[%get3A_63, %get3A_64] {strides = array<i32>} : memref<200x128xi32, #tpu.memory_space<vmem>>, vector<16xi32>,
    %shift_right_logical3A_66 = arith.constant 1 : i32
    %shift_right_logical3A_67 = vector.broadcast %shift_right_logical3A_66 : i32 to vector<16xi32>
    %shift_right_logical3A_68 = arith.shrui %get3A_65, %shift_right_logical3A_67 : vector<16xi32>
    %swap3A_69 = arith.constant 0 : i32
    %swap3A_70 = arith.index_cast %swap3A_69 : i32 to index
    %swap3A_71 = arith.constant 48 : index
    %swap3A_72 = tpu.vector_load %arg6[%swap3A_70, %swap3A_71] {strides = array<i32>} : memref<2x128xi32, #tpu.memory_space<vmem>>, vector<16xi32>,
    tpu.vector_store %arg6[%swap3A_70, %swap3A_71], %shift_right_logical3A_68 {strides = array<i32>} : memref<2x128xi32, #tpu.memory_space<vmem>>, vector<16xi32>,
    %and3A_73 = arith.constant 1 : i32
    %and3A_74 = vector.broadcast %and3A_73 : i32 to vector<16xi32>
    %and3A_75 = arith.andi %get3A_65, %and3A_74 : vector<16xi32>
    %mul3A_76 = arith.constant 64 : i32
    %mul3A_77 = vector.broadcast %mul3A_76 : i32 to vector<16xi32>
    %mul3A_78 = arith.muli %and3A_75, %mul3A_77 : vector<16xi32>
    %swap3A_79 = arith.constant 0 : i32
    %swap3A_80 = arith.index_cast %swap3A_79 : i32 to index
    %swap3A_81 = arith.constant 48 : index
    %swap3A_82 = tpu.vector_load %arg7[%swap3A_80, %swap3A_81] {strides = array<i32>} : memref<2x128xi32, #tpu.memory_space<vmem>>, vector<16xi32>,
    tpu.vector_store %arg7[%swap3A_80, %swap3A_81], %mul3A_78 {strides = array<i32>} : memref<2x128xi32, #tpu.memory_space<vmem>>, vector<16xi32>,
    %get3A_83 = arith.constant 0 : i32
    %get3A_84 = arith.index_cast %get3A_83 : i32 to index
    %get3A_85 = arith.constant 64 : index
    %get3A_86 = tpu.vector_load %arg5[%get3A_84, %get3A_85] {strides = array<i32>} : memref<200x128xi32, #tpu.memory_space<vmem>>, vector<16xi32>,
    %shift_right_logical3A_87 = arith.constant 1 : i32
    %shift_right_logical3A_88 = vector.broadcast %shift_right_logical3A_87 : i32 to vector<16xi32>
    %shift_right_logical3A_89 = arith.shrui %get3A_86, %shift_right_logical3A_88 : vector<16xi32>
    %swap3A_90 = arith.constant 0 : i32
    %swap3A_91 = arith.index_cast %swap3A_90 : i32 to index
    %swap3A_92 = arith.constant 64 : index
    %swap3A_93 = tpu.vector_load %arg6[%swap3A_91, %swap3A_92] {strides = array<i32>} : memref<2x128xi32, #tpu.memory_space<vmem>>, vector<16xi32>,
    tpu.vector_store %arg6[%swap3A_91, %swap3A_92], %shift_right_logical3A_89 {strides = array<i32>} : memref<2x128xi32, #tpu.memory_space<vmem>>, vector<16xi32>,
    %and3A_94 = arith.constant 1 : i32
    %and3A_95 = vector.broadcast %and3A_94 : i32 to vector<16xi32>
    %and3A_96 = arith.andi %get3A_86, %and3A_95 : vector<16xi32>
    %mul3A_97 = arith.constant 64 : i32
    %mul3A_98 = vector.broadcast %mul3A_97 : i32 to vector<16xi32>
    %mul3A_99 = arith.muli %and3A_96, %mul3A_98 : vector<16xi32>
    %swap3A_100 = arith.constant 0 : i32
    %swap3A_101 = arith.index_cast %swap3A_100 : i32 to index
    %swap3A_102 = arith.constant 64 : index
    %swap3A_103 = tpu.vector_load %arg7[%swap3A_101, %swap3A_102] {strides = array<i32>} : memref<2x128xi32, #tpu.memory_space<vmem>>, vector<16xi32>,
    tpu.vector_store %arg7[%swap3A_101, %swap3A_102], %mul3A_99 {strides = array<i32>} : memref<2x128xi32, #tpu.memory_space<vmem>>, vector<16xi32>,
    %get3A_104 = arith.constant 0 : i32
    %get3A_105 = arith.index_cast %get3A_104 : i32 to index
    %get3A_106 = arith.constant 80 : index
    %get3A_107 = tpu.vector_load %arg5[%get3A_105, %get3A_106] {strides = array<i32>} : memref<200x128xi32, #tpu.memory_space<vmem>>, vector<16xi32>,
    %shift_right_logical3A_108 = arith.constant 1 : i32
    %shift_right_logical3A_109 = vector.broadcast %shift_right_logical3A_108 : i32 to vector<16xi32>
    %shift_right_logical3A_110 = arith.shrui %get3A_107, %shift_right_logical3A_109 : vector<16xi32>
    %swap3A_111 = arith.constant 0 : i32
    %swap3A_112 = arith.index_cast %swap3A_111 : i32 to index
    %swap3A_113 = arith.constant 80 : index
    %swap3A_114 = tpu.vector_load %arg6[%swap3A_112, %swap3A_113] {strides = array<i32>} : memref<2x128xi32, #tpu.memory_space<vmem>>, vector<16xi32>,
    tpu.vector_store %arg6[%swap3A_112, %swap3A_113], %shift_right_logical3A_110 {strides = array<i32>} : memref<2x128xi32, #tpu.memory_space<vmem>>, vector<16xi32>,
    %and3A_115 = arith.constant 1 : i32
    %and3A_116 = vector.broadcast %and3A_115 : i32 to vector<16xi32>
    %and3A_117 = arith.andi %get3A_107, %and3A_116 : vector<16xi32>
    %mul3A_118 = arith.constant 64 : i32
    %mul3A_119 = vector.broadcast %mul3A_118 : i32 to vector<16xi32>
    %mul3A_120 = arith.muli %and3A_117, %mul3A_119 : vector<16xi32>
    %swap3A_121 = arith.constant 0 : i32
    %swap3A_122 = arith.index_cast %swap3A_121 : i32 to index
    %swap3A_123 = arith.constant 80 : index
    %swap3A_124 = tpu.vector_load %arg7[%swap3A_122, %swap3A_123] {strides = array<i32>} : memref<2x128xi32, #tpu.memory_space<vmem>>, vector<16xi32>,
    tpu.vector_store %arg7[%swap3A_122, %swap3A_123], %mul3A_120 {strides = array<i32>} : memref<2x128xi32, #tpu.memory_space<vmem>>, vector<16xi32>,
    %get3A_125 = arith.constant 0 : i32
    %get3A_126 = arith.index_cast %get3A_125 : i32 to index
    %get3A_127 = arith.constant 96 : index
    %get3A_128 = tpu.vector_load %arg5[%get3A_126, %get3A_127] {strides = array<i32>} : memref<200x128xi32, #tpu.memory_space<vmem>>, vector<16xi32>,
    %shift_right_logical3A_129 = arith.constant 1 : i32
    %shift_right_logical3A_130 = vector.broadcast %shift_right_logical3A_129 : i32 to vector<16xi32>
    %shift_right_logical3A_131 = arith.shrui %get3A_128, %shift_right_logical3A_130 : vector<16xi32>
    %swap3A_132 = arith.constant 0 : i32
    %swap3A_133 = arith.index_cast %swap3A_132 : i32 to index
    %swap3A_134 = arith.constant 96 : index
    %swap3A_135 = tpu.vector_load %arg6[%swap3A_133, %swap3A_134] {strides = array<i32>} : memref<2x128xi32, #tpu.memory_space<vmem>>, vector<16xi32>,
    tpu.vector_store %arg6[%swap3A_133, %swap3A_134], %shift_right_logical3A_131 {strides = array<i32>} : memref<2x128xi32, #tpu.memory_space<vmem>>, vector<16xi32>,
    %and3A_136 = arith.constant 1 : i32
    %and3A_137 = vector.broadcast %and3A_136 : i32 to vector<16xi32>
    %and3A_138 = arith.andi %get3A_128, %and3A_137 : vector<16xi32>
    %mul3A_139 = arith.constant 64 : i32
    %mul3A_140 = vector.broadcast %mul3A_139 : i32 to vector<16xi32>
    %mul3A_141 = arith.muli %and3A_138, %mul3A_140 : vector<16xi32>
    %swap3A_142 = arith.constant 0 : i32
    %swap3A_143 = arith.index_cast %swap3A_142 : i32 to index
    %swap3A_144 = arith.constant 96 : index
    %swap3A_145 = tpu.vector_load %arg7[%swap3A_143, %swap3A_144] {strides = array<i32>} : memref<2x128xi32, #tpu.memory_space<vmem>>, vector<16xi32>,
    tpu.vector_store %arg7[%swap3A_143, %swap3A_144], %mul3A_141 {strides = array<i32>} : memref<2x128xi32, #tpu.memory_space<vmem>>, vector<16xi32>,
    %get3A_146 = arith.constant 0 : i32
    %get3A_147 = arith.index_cast %get3A_146 : i32 to index
    %get3A_148 = arith.constant 112 : index
    %get3A_149 = tpu.vector_load %arg5[%get3A_147, %get3A_148] {strides = array<i32>} : memref<200x128xi32, #tpu.memory_space<vmem>>, vector<16xi32>,
    %shift_right_logical3A_150 = arith.constant 1 : i32
    %shift_right_logical3A_151 = vector.broadcast %shift_right_logical3A_150 : i32 to vector<16xi32>
    %shift_right_logical3A_152 = arith.shrui %get3A_149, %shift_right_logical3A_151 : vector<16xi32>
    %swap3A_153 = arith.constant 0 : i32
    %swap3A_154 = arith.index_cast %swap3A_153 : i32 to index
    %swap3A_155 = arith.constant 112 : index
    %swap3A_156 = tpu.vector_load %arg6[%swap3A_154, %swap3A_155] {strides = array<i32>} : memref<2x128xi32, #tpu.memory_space<vmem>>, vector<16xi32>,
    tpu.vector_store %arg6[%swap3A_154, %swap3A_155], %shift_right_logical3A_152 {strides = array<i32>} : memref<2x128xi32, #tpu.memory_space<vmem>>, vector<16xi32>,
    %and3A_157 = arith.constant 1 : i32
    %and3A_158 = vector.broadcast %and3A_157 : i32 to vector<16xi32>
    %and3A_159 = arith.andi %get3A_149, %and3A_158 : vector<16xi32>
    %mul3A_160 = arith.constant 64 : i32
    %mul3A_161 = vector.broadcast %mul3A_160 : i32 to vector<16xi32>
    %mul3A_162 = arith.muli %and3A_159, %mul3A_161 : vector<16xi32>
    %swap3A_163 = arith.constant 0 : i32
    %swap3A_164 = arith.index_cast %swap3A_163 : i32 to index
    %swap3A_165 = arith.constant 112 : index
    %swap3A_166 = tpu.vector_load %arg7[%swap3A_164, %swap3A_165] {strides = array<i32>} : memref<2x128xi32, #tpu.memory_space<vmem>>, vector<16xi32>,
    tpu.vector_store %arg7[%swap3A_164, %swap3A_165], %mul3A_162 {strides = array<i32>} : memref<2x128xi32, #tpu.memory_space<vmem>>, vector<16xi32>,
    %dma_start3A = arith.constant 0 : i32
    %dma_start3A_167 = arith.constant 0 : i32
    %dma_start3A_168 = arith.constant 0 : i32
    %dma_start3A_169 = arith.constant 0 : i32
    %dma_start3A_170 = tpu.memref_slice %arg8[%dma_start3A_167, %dma_start3A_168, %dma_start3A_169] : memref<2x128x128xf32, #tpu.memory_space<vmem>> -> memref<1x128x128xf32, #tpu.memory_space<vmem>>
    %dma_start3A_171 = tpu.memref_squeeze %dma_start3A_170 : memref<1x128x128xf32, #tpu.memory_space<vmem>> -> memref<128x128xf32, #tpu.memory_space<vmem>>
    %dma_start3A_172 = arith.constant 0 : i32
    %dma_start3A_173 = tpu.memref_slice %arg6[%dma_start3A, %dma_start3A_172] : memref<2x128xi32, #tpu.memory_space<vmem>> -> memref<1x128xi32, #tpu.memory_space<vmem>>
    %dma_start3A_174 = tpu.memref_squeeze %dma_start3A_173 : memref<1x128xi32, #tpu.memory_space<vmem>> -> memref<128xi32, #tpu.memory_space<vmem>>
    %dma_start3A_175 = arith.constant 0 : i32
    %dma_start3A_176 = arith.constant 0 : i32
    %dma_start3A_177 = tpu.memref_slice %arg3[%dma_start3A_175, %dma_start3A_176] : memref<500000x128xf32, #tpu.memory_space<hbm>> -> memref<500000x128xf32, #tpu.memory_space<hbm>>
    tpu.enqueue_indirect_dma source(%dma_start3A_177 : memref<500000x128xf32, #tpu.memory_space<hbm>>) target(%dma_start3A_171 : memref<128x128xf32, #tpu.memory_space<vmem>>) offsets(%dma_start3A_174 : memref<128xi32, #tpu.memory_space<vmem>>) semaphore(%arg10 : memref<!tpu.dma_semaphore, #tpu.memory_space<semaphore_mem>>)
    %scan3A = arith.constant 0 : i32
    %scan3A_178 = arith.constant 0 : i32
    %scan3A_179 = arith.constant 100 : i32
    %scan3A_180 = arith.addi %scan3A_178, %scan3A_179 : i32
    %scan3A_181 = arith.constant 1 : i32
    scf.for %scan3A_214 = %scan3A_178 to %scan3A_180 step %scan3A_181  : i32 {
      %mul3A_215 = arith.constant 2 : i32
      %mul3A_216 = arith.muli %mul3A_215, %scan3A_214 : i32
      %add3A_217 = arith.constant 0 : i32
      %add3A_218 = arith.addi %mul3A_216, %add3A_217 : i32
      %lt3A = arith.constant 199 : i32
      %lt3A_219 = arith.cmpi slt, %add3A_218, %lt3A : i32
      %convert_element_type3A = arith.extui %lt3A_219 : i1 to i32
      %cond3A = arith.constant 0 : i32
      %cond3A_220 = arith.cmpi ne, %convert_element_type3A, %cond3A : i32
      scf.if %cond3A_220 {
        %add3A_305 = arith.constant 1 : i32
        %add3A_306 = arith.addi %add3A_218, %add3A_305 : i32
        %get3A_307 = arith.index_cast %add3A_306 : i32 to index
        %get3A_308 = arith.constant 0 : index
        %get3A_309 = tpu.vector_load %arg5[%get3A_307, %get3A_308] {strides = array<i32>} : memref<200x128xi32, #tpu.memory_space<vmem>>, vector<16xi32>,
        %shift_right_logical3A_310 = arith.constant 1 : i32
        %shift_right_logical3A_311 = vector.broadcast %shift_right_logical3A_310 : i32 to vector<16xi32>
        %shift_right_logical3A_312 = arith.shrui %get3A_309, %shift_right_logical3A_311 : vector<16xi32>
        %swap3A_313 = arith.constant 1 : i32
        %swap3A_314 = arith.index_cast %swap3A_313 : i32 to index
        %swap3A_315 = arith.constant 0 : index
        %swap3A_316 = tpu.vector_load %arg6[%swap3A_314, %swap3A_315] {strides = array<i32>} : memref<2x128xi32, #tpu.memory_space<vmem>>, vector<16xi32>,
        tpu.vector_store %arg6[%swap3A_314, %swap3A_315], %shift_right_logical3A_312 {strides = array<i32>} : memref<2x128xi32, #tpu.memory_space<vmem>>, vector<16xi32>,
        %and3A_317 = arith.constant 1 : i32
        %and3A_318 = vector.broadcast %and3A_317 : i32 to vector<16xi32>
        %and3A_319 = arith.andi %get3A_309, %and3A_318 : vector<16xi32>
        %mul3A_320 = arith.constant 64 : i32
        %mul3A_321 = vector.broadcast %mul3A_320 : i32 to vector<16xi32>
        %mul3A_322 = arith.muli %and3A_319, %mul3A_321 : vector<16xi32>
        %swap3A_323 = arith.constant 1 : i32
        %swap3A_324 = arith.index_cast %swap3A_323 : i32 to index
        %swap3A_325 = arith.constant 0 : index
        %swap3A_326 = tpu.vector_load %arg7[%swap3A_324, %swap3A_325] {strides = array<i32>} : memref<2x128xi32, #tpu.memory_space<vmem>>, vector<16xi32>,
        tpu.vector_store %arg7[%swap3A_324, %swap3A_325], %mul3A_322 {strides = array<i32>} : memref<2x128xi32, #tpu.memory_space<vmem>>, vector<16xi32>,
        %get3A_327 = arith.index_cast %add3A_306 : i32 to index
        %get3A_328 = arith.constant 16 : index
        %get3A_329 = tpu.vector_load %arg5[%get3A_327, %get3A_328] {strides = array<i32>} : memref<200x128xi32, #tpu.memory_space<vmem>>, vector<16xi32>,
        %shift_right_logical3A_330 = arith.constant 1 : i32
        %shift_right_logical3A_331 = vector.broadcast %shift_right_logical3A_330 : i32 to vector<16xi32>
        %shift_right_logical3A_332 = arith.shrui %get3A_329, %shift_right_logical3A_331 : vector<16xi32>
        %swap3A_333 = arith.constant 1 : i32
        %swap3A_334 = arith.index_cast %swap3A_333 : i32 to index
        %swap3A_335 = arith.constant 16 : index
        %swap3A_336 = tpu.vector_load %arg6[%swap3A_334, %swap3A_335] {strides = array<i32>} : memref<2x128xi32, #tpu.memory_space<vmem>>, vector<16xi32>,
        tpu.vector_store %arg6[%swap3A_334, %swap3A_335], %shift_right_logical3A_332 {strides = array<i32>} : memref<2x128xi32, #tpu.memory_space<vmem>>, vector<16xi32>,
        %and3A_337 = arith.constant 1 : i32
        %and3A_338 = vector.broadcast %and3A_337 : i32 to vector<16xi32>
        %and3A_339 = arith.andi %get3A_329, %and3A_338 : vector<16xi32>
        %mul3A_340 = arith.constant 64 : i32
        %mul3A_341 = vector.broadcast %mul3A_340 : i32 to vector<16xi32>
        %mul3A_342 = arith.muli %and3A_339, %mul3A_341 : vector<16xi32>
        %swap3A_343 = arith.constant 1 : i32
        %swap3A_344 = arith.index_cast %swap3A_343 : i32 to index
        %swap3A_345 = arith.constant 16 : index
        %swap3A_346 = tpu.vector_load %arg7[%swap3A_344, %swap3A_345] {strides = array<i32>} : memref<2x128xi32, #tpu.memory_space<vmem>>, vector<16xi32>,
        tpu.vector_store %arg7[%swap3A_344, %swap3A_345], %mul3A_342 {strides = array<i32>} : memref<2x128xi32, #tpu.memory_space<vmem>>, vector<16xi32>,
        %get3A_347 = arith.index_cast %add3A_306 : i32 to index
        %get3A_348 = arith.constant 32 : index
        %get3A_349 = tpu.vector_load %arg5[%get3A_347, %get3A_348] {strides = array<i32>} : memref<200x128xi32, #tpu.memory_space<vmem>>, vector<16xi32>,
        %shift_right_logical3A_350 = arith.constant 1 : i32
        %shift_right_logical3A_351 = vector.broadcast %shift_right_logical3A_350 : i32 to vector<16xi32>
        %shift_right_logical3A_352 = arith.shrui %get3A_349, %shift_right_logical3A_351 : vector<16xi32>
        %swap3A_353 = arith.constant 1 : i32
        %swap3A_354 = arith.index_cast %swap3A_353 : i32 to index
        %swap3A_355 = arith.constant 32 : index
        %swap3A_356 = tpu.vector_load %arg6[%swap3A_354, %swap3A_355] {strides = array<i32>} : memref<2x128xi32, #tpu.memory_space<vmem>>, vector<16xi32>,
        tpu.vector_store %arg6[%swap3A_354, %swap3A_355], %shift_right_logical3A_352 {strides = array<i32>} : memref<2x128xi32, #tpu.memory_space<vmem>>, vector<16xi32>,
        %and3A_357 = arith.constant 1 : i32
        %and3A_358 = vector.broadcast %and3A_357 : i32 to vector<16xi32>
        %and3A_359 = arith.andi %get3A_349, %and3A_358 : vector<16xi32>
        %mul3A_360 = arith.constant 64 : i32
        %mul3A_361 = vector.broadcast %mul3A_360 : i32 to vector<16xi32>
        %mul3A_362 = arith.muli %and3A_359, %mul3A_361 : vector<16xi32>
        %swap3A_363 = arith.constant 1 : i32
        %swap3A_364 = arith.index_cast %swap3A_363 : i32 to index
        %swap3A_365 = arith.constant 32 : index
        %swap3A_366 = tpu.vector_load %arg7[%swap3A_364, %swap3A_365] {strides = array<i32>} : memref<2x128xi32, #tpu.memory_space<vmem>>, vector<16xi32>,
        tpu.vector_store %arg7[%swap3A_364, %swap3A_365], %mul3A_362 {strides = array<i32>} : memref<2x128xi32, #tpu.memory_space<vmem>>, vector<16xi32>,
        %get3A_367 = arith.index_cast %add3A_306 : i32 to index
        %get3A_368 = arith.constant 48 : index
        %get3A_369 = tpu.vector_load %arg5[%get3A_367, %get3A_368] {strides = array<i32>} : memref<200x128xi32, #tpu.memory_space<vmem>>, vector<16xi32>,
        %shift_right_logical3A_370 = arith.constant 1 : i32
        %shift_right_logical3A_371 = vector.broadcast %shift_right_logical3A_370 : i32 to vector<16xi32>
        %shift_right_logical3A_372 = arith.shrui %get3A_369, %shift_right_logical3A_371 : vector<16xi32>
        %swap3A_373 = arith.constant 1 : i32
        %swap3A_374 = arith.index_cast %swap3A_373 : i32 to index
        %swap3A_375 = arith.constant 48 : index
        %swap3A_376 = tpu.vector_load %arg6[%swap3A_374, %swap3A_375] {strides = array<i32>} : memref<2x128xi32, #tpu.memory_space<vmem>>, vector<16xi32>,
        tpu.vector_store %arg6[%swap3A_374, %swap3A_375], %shift_right_logical3A_372 {strides = array<i32>} : memref<2x128xi32, #tpu.memory_space<vmem>>, vector<16xi32>,
        %and3A_377 = arith.constant 1 : i32
        %and3A_378 = vector.broadcast %and3A_377 : i32 to vector<16xi32>
        %and3A_379 = arith.andi %get3A_369, %and3A_378 : vector<16xi32>
        %mul3A_380 = arith.constant 64 : i32
        %mul3A_381 = vector.broadcast %mul3A_380 : i32 to vector<16xi32>
        %mul3A_382 = arith.muli %and3A_379, %mul3A_381 : vector<16xi32>
        %swap3A_383 = arith.constant 1 : i32
        %swap3A_384 = arith.index_cast %swap3A_383 : i32 to index
        %swap3A_385 = arith.constant 48 : index
        %swap3A_386 = tpu.vector_load %arg7[%swap3A_384, %swap3A_385] {strides = array<i32>} : memref<2x128xi32, #tpu.memory_space<vmem>>, vector<16xi32>,
        tpu.vector_store %arg7[%swap3A_384, %swap3A_385], %mul3A_382 {strides = array<i32>} : memref<2x128xi32, #tpu.memory_space<vmem>>, vector<16xi32>,
        %get3A_387 = arith.index_cast %add3A_306 : i32 to index
        %get3A_388 = arith.constant 64 : index
        %get3A_389 = tpu.vector_load %arg5[%get3A_387, %get3A_388] {strides = array<i32>} : memref<200x128xi32, #tpu.memory_space<vmem>>, vector<16xi32>,
        %shift_right_logical3A_390 = arith.constant 1 : i32
        %shift_right_logical3A_391 = vector.broadcast %shift_right_logical3A_390 : i32 to vector<16xi32>
        %shift_right_logical3A_392 = arith.shrui %get3A_389, %shift_right_logical3A_391 : vector<16xi32>
        %swap3A_393 = arith.constant 1 : i32
        %swap3A_394 = arith.index_cast %swap3A_393 : i32 to index
        %swap3A_395 = arith.constant 64 : index
        %swap3A_396 = tpu.vector_load %arg6[%swap3A_394, %swap3A_395] {strides = array<i32>} : memref<2x128xi32, #tpu.memory_space<vmem>>, vector<16xi32>,
        tpu.vector_store %arg6[%swap3A_394, %swap3A_395], %shift_right_logical3A_392 {strides = array<i32>} : memref<2x128xi32, #tpu.memory_space<vmem>>, vector<16xi32>,
        %and3A_397 = arith.constant 1 : i32
        %and3A_398 = vector.broadcast %and3A_397 : i32 to vector<16xi32>
        %and3A_399 = arith.andi %get3A_389, %and3A_398 : vector<16xi32>
        %mul3A_400 = arith.constant 64 : i32
        %mul3A_401 = vector.broadcast %mul3A_400 : i32 to vector<16xi32>
        %mul3A_402 = arith.muli %and3A_399, %mul3A_401 : vector<16xi32>
        %swap3A_403 = arith.constant 1 : i32
        %swap3A_404 = arith.index_cast %swap3A_403 : i32 to index
        %swap3A_405 = arith.constant 64 : index
        %swap3A_406 = tpu.vector_load %arg7[%swap3A_404, %swap3A_405] {strides = array<i32>} : memref<2x128xi32, #tpu.memory_space<vmem>>, vector<16xi32>,
        tpu.vector_store %arg7[%swap3A_404, %swap3A_405], %mul3A_402 {strides = array<i32>} : memref<2x128xi32, #tpu.memory_space<vmem>>, vector<16xi32>,
        %get3A_407 = arith.index_cast %add3A_306 : i32 to index
        %get3A_408 = arith.constant 80 : index
        %get3A_409 = tpu.vector_load %arg5[%get3A_407, %get3A_408] {strides = array<i32>} : memref<200x128xi32, #tpu.memory_space<vmem>>, vector<16xi32>,
        %shift_right_logical3A_410 = arith.constant 1 : i32
        %shift_right_logical3A_411 = vector.broadcast %shift_right_logical3A_410 : i32 to vector<16xi32>
        %shift_right_logical3A_412 = arith.shrui %get3A_409, %shift_right_logical3A_411 : vector<16xi32>
        %swap3A_413 = arith.constant 1 : i32
        %swap3A_414 = arith.index_cast %swap3A_413 : i32 to index
        %swap3A_415 = arith.constant 80 : index
        %swap3A_416 = tpu.vector_load %arg6[%swap3A_414, %swap3A_415] {strides = array<i32>} : memref<2x128xi32, #tpu.memory_space<vmem>>, vector<16xi32>,
        tpu.vector_store %arg6[%swap3A_414, %swap3A_415], %shift_right_logical3A_412 {strides = array<i32>} : memref<2x128xi32, #tpu.memory_space<vmem>>, vector<16xi32>,
        %and3A_417 = arith.constant 1 : i32
        %and3A_418 = vector.broadcast %and3A_417 : i32 to vector<16xi32>
        %and3A_419 = arith.andi %get3A_409, %and3A_418 : vector<16xi32>
        %mul3A_420 = arith.constant 64 : i32
        %mul3A_421 = vector.broadcast %mul3A_420 : i32 to vector<16xi32>
        %mul3A_422 = arith.muli %and3A_419, %mul3A_421 : vector<16xi32>
        %swap3A_423 = arith.constant 1 : i32
        %swap3A_424 = arith.index_cast %swap3A_423 : i32 to index
        %swap3A_425 = arith.constant 80 : index
        %swap3A_426 = tpu.vector_load %arg7[%swap3A_424, %swap3A_425] {strides = array<i32>} : memref<2x128xi32, #tpu.memory_space<vmem>>, vector<16xi32>,
        tpu.vector_store %arg7[%swap3A_424, %swap3A_425], %mul3A_422 {strides = array<i32>} : memref<2x128xi32, #tpu.memory_space<vmem>>, vector<16xi32>,
        %get3A_427 = arith.index_cast %add3A_306 : i32 to index
        %get3A_428 = arith.constant 96 : index
        %get3A_429 = tpu.vector_load %arg5[%get3A_427, %get3A_428] {strides = array<i32>} : memref<200x128xi32, #tpu.memory_space<vmem>>, vector<16xi32>,
        %shift_right_logical3A_430 = arith.constant 1 : i32
        %shift_right_logical3A_431 = vector.broadcast %shift_right_logical3A_430 : i32 to vector<16xi32>
        %shift_right_logical3A_432 = arith.shrui %get3A_429, %shift_right_logical3A_431 : vector<16xi32>
        %swap3A_433 = arith.constant 1 : i32
        %swap3A_434 = arith.index_cast %swap3A_433 : i32 to index
        %swap3A_435 = arith.constant 96 : index
        %swap3A_436 = tpu.vector_load %arg6[%swap3A_434, %swap3A_435] {strides = array<i32>} : memref<2x128xi32, #tpu.memory_space<vmem>>, vector<16xi32>,
        tpu.vector_store %arg6[%swap3A_434, %swap3A_435], %shift_right_logical3A_432 {strides = array<i32>} : memref<2x128xi32, #tpu.memory_space<vmem>>, vector<16xi32>,
        %and3A_437 = arith.constant 1 : i32
        %and3A_438 = vector.broadcast %and3A_437 : i32 to vector<16xi32>
        %and3A_439 = arith.andi %get3A_429, %and3A_438 : vector<16xi32>
        %mul3A_440 = arith.constant 64 : i32
        %mul3A_441 = vector.broadcast %mul3A_440 : i32 to vector<16xi32>
        %mul3A_442 = arith.muli %and3A_439, %mul3A_441 : vector<16xi32>
        %swap3A_443 = arith.constant 1 : i32
        %swap3A_444 = arith.index_cast %swap3A_443 : i32 to index
        %swap3A_445 = arith.constant 96 : index
        %swap3A_446 = tpu.vector_load %arg7[%swap3A_444, %swap3A_445] {strides = array<i32>} : memref<2x128xi32, #tpu.memory_space<vmem>>, vector<16xi32>,
        tpu.vector_store %arg7[%swap3A_444, %swap3A_445], %mul3A_442 {strides = array<i32>} : memref<2x128xi32, #tpu.memory_space<vmem>>, vector<16xi32>,
        %get3A_447 = arith.index_cast %add3A_306 : i32 to index
        %get3A_448 = arith.constant 112 : index
        %get3A_449 = tpu.vector_load %arg5[%get3A_447, %get3A_448] {strides = array<i32>} : memref<200x128xi32, #tpu.memory_space<vmem>>, vector<16xi32>,
        %shift_right_logical3A_450 = arith.constant 1 : i32
        %shift_right_logical3A_451 = vector.broadcast %shift_right_logical3A_450 : i32 to vector<16xi32>
        %shift_right_logical3A_452 = arith.shrui %get3A_449, %shift_right_logical3A_451 : vector<16xi32>
        %swap3A_453 = arith.constant 1 : i32
        %swap3A_454 = arith.index_cast %swap3A_453 : i32 to index
        %swap3A_455 = arith.constant 112 : index
        %swap3A_456 = tpu.vector_load %arg6[%swap3A_454, %swap3A_455] {strides = array<i32>} : memref<2x128xi32, #tpu.memory_space<vmem>>, vector<16xi32>,
        tpu.vector_store %arg6[%swap3A_454, %swap3A_455], %shift_right_logical3A_452 {strides = array<i32>} : memref<2x128xi32, #tpu.memory_space<vmem>>, vector<16xi32>,
        %and3A_457 = arith.constant 1 : i32
        %and3A_458 = vector.broadcast %and3A_457 : i32 to vector<16xi32>
        %and3A_459 = arith.andi %get3A_449, %and3A_458 : vector<16xi32>
        %mul3A_460 = arith.constant 64 : i32
        %mul3A_461 = vector.broadcast %mul3A_460 : i32 to vector<16xi32>
        %mul3A_462 = arith.muli %and3A_459, %mul3A_461 : vector<16xi32>
        %swap3A_463 = arith.constant 1 : i32
        %swap3A_464 = arith.index_cast %swap3A_463 : i32 to index
        %swap3A_465 = arith.constant 112 : index
        %swap3A_466 = tpu.vector_load %arg7[%swap3A_464, %swap3A_465] {strides = array<i32>} : memref<2x128xi32, #tpu.memory_space<vmem>>, vector<16xi32>,
        tpu.vector_store %arg7[%swap3A_464, %swap3A_465], %mul3A_462 {strides = array<i32>} : memref<2x128xi32, #tpu.memory_space<vmem>>, vector<16xi32>,
        %dma_start3A_467 = arith.constant 1 : i32
        %dma_start3A_468 = arith.constant 1 : i32
        %dma_start3A_469 = arith.constant 0 : i32
        %dma_start3A_470 = arith.constant 0 : i32
        %dma_start3A_471 = tpu.memref_slice %arg8[%dma_start3A_468, %dma_start3A_469, %dma_start3A_470] : memref<2x128x128xf32, #tpu.memory_space<vmem>> -> memref<1x128x128xf32, #tpu.memory_space<vmem>>
        %dma_start3A_472 = tpu.memref_squeeze %dma_start3A_471 : memref<1x128x128xf32, #tpu.memory_space<vmem>> -> memref<128x128xf32, #tpu.memory_space<vmem>>
        %dma_start3A_473 = arith.constant 0 : i32
        %dma_start3A_474 = tpu.memref_slice %arg6[%dma_start3A_467, %dma_start3A_473] : memref<2x128xi32, #tpu.memory_space<vmem>> -> memref<1x128xi32, #tpu.memory_space<vmem>>
        %dma_start3A_475 = tpu.memref_squeeze %dma_start3A_474 : memref<1x128xi32, #tpu.memory_space<vmem>> -> memref<128xi32, #tpu.memory_space<vmem>>
        %dma_start3A_476 = arith.constant 0 : i32
        %dma_start3A_477 = arith.constant 0 : i32
        %dma_start3A_478 = tpu.memref_slice %arg3[%dma_start3A_476, %dma_start3A_477] : memref<500000x128xf32, #tpu.memory_space<hbm>> -> memref<500000x128xf32, #tpu.memory_space<hbm>>
        tpu.enqueue_indirect_dma source(%dma_start3A_478 : memref<500000x128xf32, #tpu.memory_space<hbm>>) target(%dma_start3A_472 : memref<128x128xf32, #tpu.memory_space<vmem>>) offsets(%dma_start3A_475 : memref<128xi32, #tpu.memory_space<vmem>>) semaphore(%arg11 : memref<!tpu.dma_semaphore, #tpu.memory_space<semaphore_mem>>)
      } else {
      }
      %dma_wait3A_221 = arith.constant 0 : i32
      %dma_wait3A_222 = arith.constant 0 : i32
      %dma_wait3A_223 = arith.constant 0 : i32
      %dma_wait3A_224 = arith.constant 0 : i32
      %dma_wait3A_225 = tpu.memref_slice %arg8[%dma_wait3A_222, %dma_wait3A_223, %dma_wait3A_224] : memref<2x128x128xf32, #tpu.memory_space<vmem>> -> memref<1x128x128xf32, #tpu.memory_space<vmem>>
      %dma_wait3A_226 = tpu.memref_squeeze %dma_wait3A_225 : memref<1x128x128xf32, #tpu.memory_space<vmem>> -> memref<128x128xf32, #tpu.memory_space<vmem>>
      %dma_wait3A_227 = arith.constant 0 : i32
      %dma_wait3A_228 = tpu.memref_slice %arg6[%dma_wait3A_221, %dma_wait3A_227] : memref<2x128xi32, #tpu.memory_space<vmem>> -> memref<1x128xi32, #tpu.memory_space<vmem>>
      %dma_wait3A_229 = tpu.memref_squeeze %dma_wait3A_228 : memref<1x128xi32, #tpu.memory_space<vmem>> -> memref<128xi32, #tpu.memory_space<vmem>>
      %dma_wait3A_230 = arith.constant 0 : i32
      %dma_wait3A_231 = arith.constant 0 : i32
      %dma_wait3A_232 = tpu.memref_slice %arg3[%dma_wait3A_230, %dma_wait3A_231] : memref<500000x128xf32, #tpu.memory_space<hbm>> -> memref<500000x128xf32, #tpu.memory_space<hbm>>
      tpu.wait_indirect_dma semaphore(%arg10 : memref<!tpu.dma_semaphore, #tpu.memory_space<semaphore_mem>>) src(%dma_wait3A_232 : memref<500000x128xf32, #tpu.memory_space<hbm>>) dst(%dma_wait3A_226 : memref<128x128xf32, #tpu.memory_space<vmem>>)
      %ge3A = arith.constant 2 : i32
      %ge3A_233 = arith.cmpi sge, %add3A_218, %ge3A : i32
      %convert_element_type3A_234 = arith.extui %ge3A_233 : i1 to i32
      %cond3A_235 = arith.constant 0 : i32
      %cond3A_236 = arith.cmpi ne, %convert_element_type3A_234, %cond3A_235 : i32
      scf.if %cond3A_236 {
        %sub3A = arith.constant 2 : i32
        %sub3A_305 = arith.subi %add3A_218, %sub3A : i32
        %dma_wait3A_306 = arith.constant 0 : i32
        %dma_wait3A_307 = arith.constant 0 : i32
        %dma_wait3A_308 = arith.constant 0 : i32
        %dma_wait3A_309 = tpu.memref_slice %arg9[%dma_wait3A_306, %dma_wait3A_307, %dma_wait3A_308] : memref<2x64x128xf32, #tpu.memory_space<vmem>> -> memref<1x64x128xf32, #tpu.memory_space<vmem>>
        %dma_wait3A_310 = tpu.memref_squeeze %dma_wait3A_309 : memref<1x64x128xf32, #tpu.memory_space<vmem>> -> memref<64x128xf32, #tpu.memory_space<vmem>>
        %dma_wait3A_311 = arith.constant 0 : i32
        %dma_wait3A_312 = tpu.memref_slice %arg4[%sub3A_305, %dma_wait3A_311, %mul3A_2] : memref<200x64x4096xf32, #tpu.memory_space<hbm>> -> memref<1x64x128xf32, #tpu.memory_space<hbm>>
        %dma_wait3A_313 = tpu.memref_squeeze %dma_wait3A_312 : memref<1x64x128xf32, #tpu.memory_space<hbm>> -> memref<64x128xf32, #tpu.memory_space<hbm>>
        %dma_wait3A_314 = arith.constant 0 : i32
        %dma_wait3A_315 = tpu.memref_slice %arg4[%sub3A_305, %dma_wait3A_314, %mul3A_2] : memref<200x64x4096xf32, #tpu.memory_space<hbm>> -> memref<1x64x128xf32, #tpu.memory_space<hbm>>
        %dma_wait3A_316 = tpu.memref_squeeze %dma_wait3A_315 : memref<1x64x128xf32, #tpu.memory_space<hbm>> -> memref<64x128xf32, #tpu.memory_space<hbm>>
        %dma_wait3A_317 = arith.constant 0 : i32
        %dma_wait3A_318 = arith.constant 0 : i32
        %dma_wait3A_319 = tpu.memref_slice %arg9[%dma_wait3A_306, %dma_wait3A_317, %dma_wait3A_318] : memref<2x64x128xf32, #tpu.memory_space<vmem>> -> memref<1x64x128xf32, #tpu.memory_space<vmem>>
        %dma_wait3A_320 = tpu.memref_squeeze %dma_wait3A_319 : memref<1x64x128xf32, #tpu.memory_space<vmem>> -> memref<64x128xf32, #tpu.memory_space<vmem>>
        tpu.wait_dma2 semaphore(%arg12 : memref<!tpu.dma_semaphore, #tpu.memory_space<semaphore_mem>>) src(%dma_wait3A_320 : memref<64x128xf32, #tpu.memory_space<vmem>>) dst(%dma_wait3A_316 : memref<64x128xf32, #tpu.memory_space<hbm>>)
      } else {
      }
      %scan3A_237 = arith.constant 0 : i32
      %scan3A_238 = arith.constant 0 : i32
      %scan3A_239 = arith.constant 16 : i32
      %scan3A_240 = arith.addi %scan3A_238, %scan3A_239 : i32
      %scan3A_241 = arith.constant 1 : i32
      scf.for %scan3A_305 = %scan3A_238 to %scan3A_240 step %scan3A_241  : i32 {
        %mul3A_306 = arith.constant 4 : i32
        %mul3A_307 = arith.muli %scan3A_305, %mul3A_306 : i32
        %iota3A = tpu.iota {dimensions = array<i32: 0>} : vector<16xi32>
        %add3A_308 = arith.constant 0 : i32
        %add3A_309 = vector.broadcast %add3A_308 : i32 to vector<16xi32>
        %add3A_310 = arith.addi %iota3A, %add3A_309 : vector<16xi32>
        %get3A_311 = arith.constant 0 : i32
        %get3A_312 = arith.index_cast %get3A_311 : i32 to index
        %get3A_313 = arith.constant 0 : index
        %get3A_314 = tpu.vector_load %arg7[%get3A_312, %get3A_313] {strides = array<i32>} : memref<2x128xi32, #tpu.memory_space<vmem>>, vector<16xi32>,
        %add3A_315 = arith.constant 0 : i32
        %add3A_316 = arith.addi %mul3A_307, %add3A_315 : i32
        %add3A_317 = vector.broadcast %add3A_316 : i32 to vector<16xi32>
        %add3A_318 = arith.addi %get3A_314, %add3A_317 : vector<16xi32>
        %gather3A = arith.constant 0 : i32
        %gather3A_319 = arith.constant 0 : i32
        %gather3A_320 = arith.constant 0 : i32
        %gather3A_321 = tpu.memref_slice %arg8[%gather3A, %gather3A_319, %gather3A_320] : memref<2x128x128xf32, #tpu.memory_space<vmem>> -> memref<1x128x128xf32, #tpu.memory_space<vmem>>
        %gather3A_322 = tpu.memref_squeeze %gather3A_321 : memref<1x128x128xf32, #tpu.memory_space<vmem>> -> memref<128x128xf32, #tpu.memory_space<vmem>>
        %gather3A_323 = tpu.vector_load_idx %gather3A_322[%add3A_310, %add3A_318] : memref<128x128xf32, #tpu.memory_space<vmem>>[vector<16xi32>, vector<16xi32>], vector<16xf32>,
        %add3A_324 = arith.constant 1 : i32
        %add3A_325 = arith.addi %mul3A_307, %add3A_324 : i32
        %add3A_326 = vector.broadcast %add3A_325 : i32 to vector<16xi32>
        %add3A_327 = arith.addi %get3A_314, %add3A_326 : vector<16xi32>
        %gather3A_328 = arith.constant 0 : i32
        %gather3A_329 = arith.constant 0 : i32
        %gather3A_330 = arith.constant 0 : i32
        %gather3A_331 = tpu.memref_slice %arg8[%gather3A_328, %gather3A_329, %gather3A_330] : memref<2x128x128xf32, #tpu.memory_space<vmem>> -> memref<1x128x128xf32, #tpu.memory_space<vmem>>
        %gather3A_332 = tpu.memref_squeeze %gather3A_331 : memref<1x128x128xf32, #tpu.memory_space<vmem>> -> memref<128x128xf32, #tpu.memory_space<vmem>>
        %gather3A_333 = tpu.vector_load_idx %gather3A_332[%add3A_310, %add3A_327] : memref<128x128xf32, #tpu.memory_space<vmem>>[vector<16xi32>, vector<16xi32>], vector<16xf32>,
        %add3A_334 = arith.constant 2 : i32
        %add3A_335 = arith.addi %mul3A_307, %add3A_334 : i32
        %add3A_336 = vector.broadcast %add3A_335 : i32 to vector<16xi32>
        %add3A_337 = arith.addi %get3A_314, %add3A_336 : vector<16xi32>
        %gather3A_338 = arith.constant 0 : i32
        %gather3A_339 = arith.constant 0 : i32
        %gather3A_340 = arith.constant 0 : i32
        %gather3A_341 = tpu.memref_slice %arg8[%gather3A_338, %gather3A_339, %gather3A_340] : memref<2x128x128xf32, #tpu.memory_space<vmem>> -> memref<1x128x128xf32, #tpu.memory_space<vmem>>
        %gather3A_342 = tpu.memref_squeeze %gather3A_341 : memref<1x128x128xf32, #tpu.memory_space<vmem>> -> memref<128x128xf32, #tpu.memory_space<vmem>>
        %gather3A_343 = tpu.vector_load_idx %gather3A_342[%add3A_310, %add3A_337] : memref<128x128xf32, #tpu.memory_space<vmem>>[vector<16xi32>, vector<16xi32>], vector<16xf32>,
        %add3A_344 = arith.constant 3 : i32
        %add3A_345 = arith.addi %mul3A_307, %add3A_344 : i32
        %add3A_346 = vector.broadcast %add3A_345 : i32 to vector<16xi32>
        %add3A_347 = arith.addi %get3A_314, %add3A_346 : vector<16xi32>
        %gather3A_348 = arith.constant 0 : i32
        %gather3A_349 = arith.constant 0 : i32
        %gather3A_350 = arith.constant 0 : i32
        %gather3A_351 = tpu.memref_slice %arg8[%gather3A_348, %gather3A_349, %gather3A_350] : memref<2x128x128xf32, #tpu.memory_space<vmem>> -> memref<1x128x128xf32, #tpu.memory_space<vmem>>
        %gather3A_352 = tpu.memref_squeeze %gather3A_351 : memref<1x128x128xf32, #tpu.memory_space<vmem>> -> memref<128x128xf32, #tpu.memory_space<vmem>>
        %gather3A_353 = tpu.vector_load_idx %gather3A_352[%add3A_310, %add3A_347] : memref<128x128xf32, #tpu.memory_space<vmem>>[vector<16xi32>, vector<16xi32>], vector<16xf32>,
        %iota3A_354 = tpu.iota {dimensions = array<i32: 0>} : vector<16xi32>
        %add3A_355 = arith.constant 16 : i32
        %add3A_356 = vector.broadcast %add3A_355 : i32 to vector<16xi32>
        %add3A_357 = arith.addi %iota3A_354, %add3A_356 : vector<16xi32>
        %get3A_358 = arith.constant 0 : i32
        %get3A_359 = arith.index_cast %get3A_358 : i32 to index
        %get3A_360 = arith.constant 16 : index
        %get3A_361 = tpu.vector_load %arg7[%get3A_359, %get3A_360] {strides = array<i32>} : memref<2x128xi32, #tpu.memory_space<vmem>>, vector<16xi32>,
        %add3A_362 = arith.constant 0 : i32
        %add3A_363 = arith.addi %mul3A_307, %add3A_362 : i32
        %add3A_364 = vector.broadcast %add3A_363 : i32 to vector<16xi32>
        %add3A_365 = arith.addi %get3A_361, %add3A_364 : vector<16xi32>
        %gather3A_366 = arith.constant 0 : i32
        %gather3A_367 = arith.constant 0 : i32
        %gather3A_368 = arith.constant 0 : i32
        %gather3A_369 = tpu.memref_slice %arg8[%gather3A_366, %gather3A_367, %gather3A_368] : memref<2x128x128xf32, #tpu.memory_space<vmem>> -> memref<1x128x128xf32, #tpu.memory_space<vmem>>
        %gather3A_370 = tpu.memref_squeeze %gather3A_369 : memref<1x128x128xf32, #tpu.memory_space<vmem>> -> memref<128x128xf32, #tpu.memory_space<vmem>>
        %gather3A_371 = tpu.vector_load_idx %gather3A_370[%add3A_357, %add3A_365] : memref<128x128xf32, #tpu.memory_space<vmem>>[vector<16xi32>, vector<16xi32>], vector<16xf32>,
        %add3A_372 = arith.constant 1 : i32
        %add3A_373 = arith.addi %mul3A_307, %add3A_372 : i32
        %add3A_374 = vector.broadcast %add3A_373 : i32 to vector<16xi32>
        %add3A_375 = arith.addi %get3A_361, %add3A_374 : vector<16xi32>
        %gather3A_376 = arith.constant 0 : i32
        %gather3A_377 = arith.constant 0 : i32
        %gather3A_378 = arith.constant 0 : i32
        %gather3A_379 = tpu.memref_slice %arg8[%gather3A_376, %gather3A_377, %gather3A_378] : memref<2x128x128xf32, #tpu.memory_space<vmem>> -> memref<1x128x128xf32, #tpu.memory_space<vmem>>
        %gather3A_380 = tpu.memref_squeeze %gather3A_379 : memref<1x128x128xf32, #tpu.memory_space<vmem>> -> memref<128x128xf32, #tpu.memory_space<vmem>>
        %gather3A_381 = tpu.vector_load_idx %gather3A_380[%add3A_357, %add3A_375] : memref<128x128xf32, #tpu.memory_space<vmem>>[vector<16xi32>, vector<16xi32>], vector<16xf32>,
        %add3A_382 = arith.constant 2 : i32
        %add3A_383 = arith.addi %mul3A_307, %add3A_382 : i32
        %add3A_384 = vector.broadcast %add3A_383 : i32 to vector<16xi32>
        %add3A_385 = arith.addi %get3A_361, %add3A_384 : vector<16xi32>
        %gather3A_386 = arith.constant 0 : i32
        %gather3A_387 = arith.constant 0 : i32
        %gather3A_388 = arith.constant 0 : i32
        %gather3A_389 = tpu.memref_slice %arg8[%gather3A_386, %gather3A_387, %gather3A_388] : memref<2x128x128xf32, #tpu.memory_space<vmem>> -> memref<1x128x128xf32, #tpu.memory_space<vmem>>
        %gather3A_390 = tpu.memref_squeeze %gather3A_389 : memref<1x128x128xf32, #tpu.memory_space<vmem>> -> memref<128x128xf32, #tpu.memory_space<vmem>>
        %gather3A_391 = tpu.vector_load_idx %gather3A_390[%add3A_357, %add3A_385] : memref<128x128xf32, #tpu.memory_space<vmem>>[vector<16xi32>, vector<16xi32>], vector<16xf32>,
        %add3A_392 = arith.constant 3 : i32
        %add3A_393 = arith.addi %mul3A_307, %add3A_392 : i32
        %add3A_394 = vector.broadcast %add3A_393 : i32 to vector<16xi32>
        %add3A_395 = arith.addi %get3A_361, %add3A_394 : vector<16xi32>
        %gather3A_396 = arith.constant 0 : i32
        %gather3A_397 = arith.constant 0 : i32
        %gather3A_398 = arith.constant 0 : i32
        %gather3A_399 = tpu.memref_slice %arg8[%gather3A_396, %gather3A_397, %gather3A_398] : memref<2x128x128xf32, #tpu.memory_space<vmem>> -> memref<1x128x128xf32, #tpu.memory_space<vmem>>
        %gather3A_400 = tpu.memref_squeeze %gather3A_399 : memref<1x128x128xf32, #tpu.memory_space<vmem>> -> memref<128x128xf32, #tpu.memory_space<vmem>>
        %gather3A_401 = tpu.vector_load_idx %gather3A_400[%add3A_357, %add3A_395] : memref<128x128xf32, #tpu.memory_space<vmem>>[vector<16xi32>, vector<16xi32>], vector<16xf32>,
        %iota3A_402 = tpu.iota {dimensions = array<i32: 0>} : vector<16xi32>
        %add3A_403 = arith.constant 32 : i32
        %add3A_404 = vector.broadcast %add3A_403 : i32 to vector<16xi32>
        %add3A_405 = arith.addi %iota3A_402, %add3A_404 : vector<16xi32>
        %get3A_406 = arith.constant 0 : i32
        %get3A_407 = arith.index_cast %get3A_406 : i32 to index
        %get3A_408 = arith.constant 32 : index
        %get3A_409 = tpu.vector_load %arg7[%get3A_407, %get3A_408] {strides = array<i32>} : memref<2x128xi32, #tpu.memory_space<vmem>>, vector<16xi32>,
        %add3A_410 = arith.constant 0 : i32
        %add3A_411 = arith.addi %mul3A_307, %add3A_410 : i32
        %add3A_412 = vector.broadcast %add3A_411 : i32 to vector<16xi32>
        %add3A_413 = arith.addi %get3A_409, %add3A_412 : vector<16xi32>
        %gather3A_414 = arith.constant 0 : i32
        %gather3A_415 = arith.constant 0 : i32
        %gather3A_416 = arith.constant 0 : i32
        %gather3A_417 = tpu.memref_slice %arg8[%gather3A_414, %gather3A_415, %gather3A_416] : memref<2x128x128xf32, #tpu.memory_space<vmem>> -> memref<1x128x128xf32, #tpu.memory_space<vmem>>
        %gather3A_418 = tpu.memref_squeeze %gather3A_417 : memref<1x128x128xf32, #tpu.memory_space<vmem>> -> memref<128x128xf32, #tpu.memory_space<vmem>>
        %gather3A_419 = tpu.vector_load_idx %gather3A_418[%add3A_405, %add3A_413] : memref<128x128xf32, #tpu.memory_space<vmem>>[vector<16xi32>, vector<16xi32>], vector<16xf32>,
        %add3A_420 = arith.constant 1 : i32
        %add3A_421 = arith.addi %mul3A_307, %add3A_420 : i32
        %add3A_422 = vector.broadcast %add3A_421 : i32 to vector<16xi32>
        %add3A_423 = arith.addi %get3A_409, %add3A_422 : vector<16xi32>
        %gather3A_424 = arith.constant 0 : i32
        %gather3A_425 = arith.constant 0 : i32
        %gather3A_426 = arith.constant 0 : i32
        %gather3A_427 = tpu.memref_slice %arg8[%gather3A_424, %gather3A_425, %gather3A_426] : memref<2x128x128xf32, #tpu.memory_space<vmem>> -> memref<1x128x128xf32, #tpu.memory_space<vmem>>
        %gather3A_428 = tpu.memref_squeeze %gather3A_427 : memref<1x128x128xf32, #tpu.memory_space<vmem>> -> memref<128x128xf32, #tpu.memory_space<vmem>>
        %gather3A_429 = tpu.vector_load_idx %gather3A_428[%add3A_405, %add3A_423] : memref<128x128xf32, #tpu.memory_space<vmem>>[vector<16xi32>, vector<16xi32>], vector<16xf32>,
        %add3A_430 = arith.constant 2 : i32
        %add3A_431 = arith.addi %mul3A_307, %add3A_430 : i32
        %add3A_432 = vector.broadcast %add3A_431 : i32 to vector<16xi32>
        %add3A_433 = arith.addi %get3A_409, %add3A_432 : vector<16xi32>
        %gather3A_434 = arith.constant 0 : i32
        %gather3A_435 = arith.constant 0 : i32
        %gather3A_436 = arith.constant 0 : i32
        %gather3A_437 = tpu.memref_slice %arg8[%gather3A_434, %gather3A_435, %gather3A_436] : memref<2x128x128xf32, #tpu.memory_space<vmem>> -> memref<1x128x128xf32, #tpu.memory_space<vmem>>
        %gather3A_438 = tpu.memref_squeeze %gather3A_437 : memref<1x128x128xf32, #tpu.memory_space<vmem>> -> memref<128x128xf32, #tpu.memory_space<vmem>>
        %gather3A_439 = tpu.vector_load_idx %gather3A_438[%add3A_405, %add3A_433] : memref<128x128xf32, #tpu.memory_space<vmem>>[vector<16xi32>, vector<16xi32>], vector<16xf32>,
        %add3A_440 = arith.constant 3 : i32
        %add3A_441 = arith.addi %mul3A_307, %add3A_440 : i32
        %add3A_442 = vector.broadcast %add3A_441 : i32 to vector<16xi32>
        %add3A_443 = arith.addi %get3A_409, %add3A_442 : vector<16xi32>
        %gather3A_444 = arith.constant 0 : i32
        %gather3A_445 = arith.constant 0 : i32
        %gather3A_446 = arith.constant 0 : i32
        %gather3A_447 = tpu.memref_slice %arg8[%gather3A_444, %gather3A_445, %gather3A_446] : memref<2x128x128xf32, #tpu.memory_space<vmem>> -> memref<1x128x128xf32, #tpu.memory_space<vmem>>
        %gather3A_448 = tpu.memref_squeeze %gather3A_447 : memref<1x128x128xf32, #tpu.memory_space<vmem>> -> memref<128x128xf32, #tpu.memory_space<vmem>>
        %gather3A_449 = tpu.vector_load_idx %gather3A_448[%add3A_405, %add3A_443] : memref<128x128xf32, #tpu.memory_space<vmem>>[vector<16xi32>, vector<16xi32>], vector<16xf32>,
        %iota3A_450 = tpu.iota {dimensions = array<i32: 0>} : vector<16xi32>
        %add3A_451 = arith.constant 48 : i32
        %add3A_452 = vector.broadcast %add3A_451 : i32 to vector<16xi32>
        %add3A_453 = arith.addi %iota3A_450, %add3A_452 : vector<16xi32>
        %get3A_454 = arith.constant 0 : i32
        %get3A_455 = arith.index_cast %get3A_454 : i32 to index
        %get3A_456 = arith.constant 48 : index
        %get3A_457 = tpu.vector_load %arg7[%get3A_455, %get3A_456] {strides = array<i32>} : memref<2x128xi32, #tpu.memory_space<vmem>>, vector<16xi32>,
        %add3A_458 = arith.constant 0 : i32
        %add3A_459 = arith.addi %mul3A_307, %add3A_458 : i32
        %add3A_460 = vector.broadcast %add3A_459 : i32 to vector<16xi32>
        %add3A_461 = arith.addi %get3A_457, %add3A_460 : vector<16xi32>
        %gather3A_462 = arith.constant 0 : i32
        %gather3A_463 = arith.constant 0 : i32
        %gather3A_464 = arith.constant 0 : i32
        %gather3A_465 = tpu.memref_slice %arg8[%gather3A_462, %gather3A_463, %gather3A_464] : memref<2x128x128xf32, #tpu.memory_space<vmem>> -> memref<1x128x128xf32, #tpu.memory_space<vmem>>
        %gather3A_466 = tpu.memref_squeeze %gather3A_465 : memref<1x128x128xf32, #tpu.memory_space<vmem>> -> memref<128x128xf32, #tpu.memory_space<vmem>>
        %gather3A_467 = tpu.vector_load_idx %gather3A_466[%add3A_453, %add3A_461] : memref<128x128xf32, #tpu.memory_space<vmem>>[vector<16xi32>, vector<16xi32>], vector<16xf32>,
        %add3A_468 = arith.constant 1 : i32
        %add3A_469 = arith.addi %mul3A_307, %add3A_468 : i32
        %add3A_470 = vector.broadcast %add3A_469 : i32 to vector<16xi32>
        %add3A_471 = arith.addi %get3A_457, %add3A_470 : vector<16xi32>
        %gather3A_472 = arith.constant 0 : i32
        %gather3A_473 = arith.constant 0 : i32
        %gather3A_474 = arith.constant 0 : i32
        %gather3A_475 = tpu.memref_slice %arg8[%gather3A_472, %gather3A_473, %gather3A_474] : memref<2x128x128xf32, #tpu.memory_space<vmem>> -> memref<1x128x128xf32, #tpu.memory_space<vmem>>
        %gather3A_476 = tpu.memref_squeeze %gather3A_475 : memref<1x128x128xf32, #tpu.memory_space<vmem>> -> memref<128x128xf32, #tpu.memory_space<vmem>>
        %gather3A_477 = tpu.vector_load_idx %gather3A_476[%add3A_453, %add3A_471] : memref<128x128xf32, #tpu.memory_space<vmem>>[vector<16xi32>, vector<16xi32>], vector<16xf32>,
        %add3A_478 = arith.constant 2 : i32
        %add3A_479 = arith.addi %mul3A_307, %add3A_478 : i32
        %add3A_480 = vector.broadcast %add3A_479 : i32 to vector<16xi32>
        %add3A_481 = arith.addi %get3A_457, %add3A_480 : vector<16xi32>
        %gather3A_482 = arith.constant 0 : i32
        %gather3A_483 = arith.constant 0 : i32
        %gather3A_484 = arith.constant 0 : i32
        %gather3A_485 = tpu.memref_slice %arg8[%gather3A_482, %gather3A_483, %gather3A_484] : memref<2x128x128xf32, #tpu.memory_space<vmem>> -> memref<1x128x128xf32, #tpu.memory_space<vmem>>
        %gather3A_486 = tpu.memref_squeeze %gather3A_485 : memref<1x128x128xf32, #tpu.memory_space<vmem>> -> memref<128x128xf32, #tpu.memory_space<vmem>>
        %gather3A_487 = tpu.vector_load_idx %gather3A_486[%add3A_453, %add3A_481] : memref<128x128xf32, #tpu.memory_space<vmem>>[vector<16xi32>, vector<16xi32>], vector<16xf32>,
        %add3A_488 = arith.constant 3 : i32
        %add3A_489 = arith.addi %mul3A_307, %add3A_488 : i32
        %add3A_490 = vector.broadcast %add3A_489 : i32 to vector<16xi32>
        %add3A_491 = arith.addi %get3A_457, %add3A_490 : vector<16xi32>
        %gather3A_492 = arith.constant 0 : i32
        %gather3A_493 = arith.constant 0 : i32
        %gather3A_494 = arith.constant 0 : i32
        %gather3A_495 = tpu.memref_slice %arg8[%gather3A_492, %gather3A_493, %gather3A_494] : memref<2x128x128xf32, #tpu.memory_space<vmem>> -> memref<1x128x128xf32, #tpu.memory_space<vmem>>
        %gather3A_496 = tpu.memref_squeeze %gather3A_495 : memref<1x128x128xf32, #tpu.memory_space<vmem>> -> memref<128x128xf32, #tpu.memory_space<vmem>>
        %gather3A_497 = tpu.vector_load_idx %gather3A_496[%add3A_453, %add3A_491] : memref<128x128xf32, #tpu.memory_space<vmem>>[vector<16xi32>, vector<16xi32>], vector<16xf32>,
        %iota3A_498 = tpu.iota {dimensions = array<i32: 0>} : vector<16xi32>
        %add3A_499 = arith.constant 64 : i32
        %add3A_500 = vector.broadcast %add3A_499 : i32 to vector<16xi32>
        %add3A_501 = arith.addi %iota3A_498, %add3A_500 : vector<16xi32>
        %get3A_502 = arith.constant 0 : i32
        %get3A_503 = arith.index_cast %get3A_502 : i32 to index
        %get3A_504 = arith.constant 64 : index
        %get3A_505 = tpu.vector_load %arg7[%get3A_503, %get3A_504] {strides = array<i32>} : memref<2x128xi32, #tpu.memory_space<vmem>>, vector<16xi32>,
        %add3A_506 = arith.constant 0 : i32
        %add3A_507 = arith.addi %mul3A_307, %add3A_506 : i32
        %add3A_508 = vector.broadcast %add3A_507 : i32 to vector<16xi32>
        %add3A_509 = arith.addi %get3A_505, %add3A_508 : vector<16xi32>
        %gather3A_510 = arith.constant 0 : i32
        %gather3A_511 = arith.constant 0 : i32
        %gather3A_512 = arith.constant 0 : i32
        %gather3A_513 = tpu.memref_slice %arg8[%gather3A_510, %gather3A_511, %gather3A_512] : memref<2x128x128xf32, #tpu.memory_space<vmem>> -> memref<1x128x128xf32, #tpu.memory_space<vmem>>
        %gather3A_514 = tpu.memref_squeeze %gather3A_513 : memref<1x128x128xf32, #tpu.memory_space<vmem>> -> memref<128x128xf32, #tpu.memory_space<vmem>>
        %gather3A_515 = tpu.vector_load_idx %gather3A_514[%add3A_501, %add3A_509] : memref<128x128xf32, #tpu.memory_space<vmem>>[vector<16xi32>, vector<16xi32>], vector<16xf32>,
        %add3A_516 = arith.constant 1 : i32
        %add3A_517 = arith.addi %mul3A_307, %add3A_516 : i32
        %add3A_518 = vector.broadcast %add3A_517 : i32 to vector<16xi32>
        %add3A_519 = arith.addi %get3A_505, %add3A_518 : vector<16xi32>
        %gather3A_520 = arith.constant 0 : i32
        %gather3A_521 = arith.constant 0 : i32
        %gather3A_522 = arith.constant 0 : i32
        %gather3A_523 = tpu.memref_slice %arg8[%gather3A_520, %gather3A_521, %gather3A_522] : memref<2x128x128xf32, #tpu.memory_space<vmem>> -> memref<1x128x128xf32, #tpu.memory_space<vmem>>
        %gather3A_524 = tpu.memref_squeeze %gather3A_523 : memref<1x128x128xf32, #tpu.memory_space<vmem>> -> memref<128x128xf32, #tpu.memory_space<vmem>>
        %gather3A_525 = tpu.vector_load_idx %gather3A_524[%add3A_501, %add3A_519] : memref<128x128xf32, #tpu.memory_space<vmem>>[vector<16xi32>, vector<16xi32>], vector<16xf32>,
        %add3A_526 = arith.constant 2 : i32
        %add3A_527 = arith.addi %mul3A_307, %add3A_526 : i32
        %add3A_528 = vector.broadcast %add3A_527 : i32 to vector<16xi32>
        %add3A_529 = arith.addi %get3A_505, %add3A_528 : vector<16xi32>
        %gather3A_530 = arith.constant 0 : i32
        %gather3A_531 = arith.constant 0 : i32
        %gather3A_532 = arith.constant 0 : i32
        %gather3A_533 = tpu.memref_slice %arg8[%gather3A_530, %gather3A_531, %gather3A_532] : memref<2x128x128xf32, #tpu.memory_space<vmem>> -> memref<1x128x128xf32, #tpu.memory_space<vmem>>
        %gather3A_534 = tpu.memref_squeeze %gather3A_533 : memref<1x128x128xf32, #tpu.memory_space<vmem>> -> memref<128x128xf32, #tpu.memory_space<vmem>>
        %gather3A_535 = tpu.vector_load_idx %gather3A_534[%add3A_501, %add3A_529] : memref<128x128xf32, #tpu.memory_space<vmem>>[vector<16xi32>, vector<16xi32>], vector<16xf32>,
        %add3A_536 = arith.constant 3 : i32
        %add3A_537 = arith.addi %mul3A_307, %add3A_536 : i32
        %add3A_538 = vector.broadcast %add3A_537 : i32 to vector<16xi32>
        %add3A_539 = arith.addi %get3A_505, %add3A_538 : vector<16xi32>
        %gather3A_540 = arith.constant 0 : i32
        %gather3A_541 = arith.constant 0 : i32
        %gather3A_542 = arith.constant 0 : i32
        %gather3A_543 = tpu.memref_slice %arg8[%gather3A_540, %gather3A_541, %gather3A_542] : memref<2x128x128xf32, #tpu.memory_space<vmem>> -> memref<1x128x128xf32, #tpu.memory_space<vmem>>
        %gather3A_544 = tpu.memref_squeeze %gather3A_543 : memref<1x128x128xf32, #tpu.memory_space<vmem>> -> memref<128x128xf32, #tpu.memory_space<vmem>>
        %gather3A_545 = tpu.vector_load_idx %gather3A_544[%add3A_501, %add3A_539] : memref<128x128xf32, #tpu.memory_space<vmem>>[vector<16xi32>, vector<16xi32>], vector<16xf32>,
        %iota3A_546 = tpu.iota {dimensions = array<i32: 0>} : vector<16xi32>
        %add3A_547 = arith.constant 80 : i32
        %add3A_548 = vector.broadcast %add3A_547 : i32 to vector<16xi32>
        %add3A_549 = arith.addi %iota3A_546, %add3A_548 : vector<16xi32>
        %get3A_550 = arith.constant 0 : i32
        %get3A_551 = arith.index_cast %get3A_550 : i32 to index
        %get3A_552 = arith.constant 80 : index
        %get3A_553 = tpu.vector_load %arg7[%get3A_551, %get3A_552] {strides = array<i32>} : memref<2x128xi32, #tpu.memory_space<vmem>>, vector<16xi32>,
        %add3A_554 = arith.constant 0 : i32
        %add3A_555 = arith.addi %mul3A_307, %add3A_554 : i32
        %add3A_556 = vector.broadcast %add3A_555 : i32 to vector<16xi32>
        %add3A_557 = arith.addi %get3A_553, %add3A_556 : vector<16xi32>
        %gather3A_558 = arith.constant 0 : i32
        %gather3A_559 = arith.constant 0 : i32
        %gather3A_560 = arith.constant 0 : i32
        %gather3A_561 = tpu.memref_slice %arg8[%gather3A_558, %gather3A_559, %gather3A_560] : memref<2x128x128xf32, #tpu.memory_space<vmem>> -> memref<1x128x128xf32, #tpu.memory_space<vmem>>
        %gather3A_562 = tpu.memref_squeeze %gather3A_561 : memref<1x128x128xf32, #tpu.memory_space<vmem>> -> memref<128x128xf32, #tpu.memory_space<vmem>>
        %gather3A_563 = tpu.vector_load_idx %gather3A_562[%add3A_549, %add3A_557] : memref<128x128xf32, #tpu.memory_space<vmem>>[vector<16xi32>, vector<16xi32>], vector<16xf32>,
        %add3A_564 = arith.constant 1 : i32
        %add3A_565 = arith.addi %mul3A_307, %add3A_564 : i32
        %add3A_566 = vector.broadcast %add3A_565 : i32 to vector<16xi32>
        %add3A_567 = arith.addi %get3A_553, %add3A_566 : vector<16xi32>
        %gather3A_568 = arith.constant 0 : i32
        %gather3A_569 = arith.constant 0 : i32
        %gather3A_570 = arith.constant 0 : i32
        %gather3A_571 = tpu.memref_slice %arg8[%gather3A_568, %gather3A_569, %gather3A_570] : memref<2x128x128xf32, #tpu.memory_space<vmem>> -> memref<1x128x128xf32, #tpu.memory_space<vmem>>
        %gather3A_572 = tpu.memref_squeeze %gather3A_571 : memref<1x128x128xf32, #tpu.memory_space<vmem>> -> memref<128x128xf32, #tpu.memory_space<vmem>>
        %gather3A_573 = tpu.vector_load_idx %gather3A_572[%add3A_549, %add3A_567] : memref<128x128xf32, #tpu.memory_space<vmem>>[vector<16xi32>, vector<16xi32>], vector<16xf32>,
        %add3A_574 = arith.constant 2 : i32
        %add3A_575 = arith.addi %mul3A_307, %add3A_574 : i32
        %add3A_576 = vector.broadcast %add3A_575 : i32 to vector<16xi32>
        %add3A_577 = arith.addi %get3A_553, %add3A_576 : vector<16xi32>
        %gather3A_578 = arith.constant 0 : i32
        %gather3A_579 = arith.constant 0 : i32
        %gather3A_580 = arith.constant 0 : i32
        %gather3A_581 = tpu.memref_slice %arg8[%gather3A_578, %gather3A_579, %gather3A_580] : memref<2x128x128xf32, #tpu.memory_space<vmem>> -> memref<1x128x128xf32, #tpu.memory_space<vmem>>
        %gather3A_582 = tpu.memref_squeeze %gather3A_581 : memref<1x128x128xf32, #tpu.memory_space<vmem>> -> memref<128x128xf32, #tpu.memory_space<vmem>>
        %gather3A_583 = tpu.vector_load_idx %gather3A_582[%add3A_549, %add3A_577] : memref<128x128xf32, #tpu.memory_space<vmem>>[vector<16xi32>, vector<16xi32>], vector<16xf32>,
        %add3A_584 = arith.constant 3 : i32
        %add3A_585 = arith.addi %mul3A_307, %add3A_584 : i32
        %add3A_586 = vector.broadcast %add3A_585 : i32 to vector<16xi32>
        %add3A_587 = arith.addi %get3A_553, %add3A_586 : vector<16xi32>
        %gather3A_588 = arith.constant 0 : i32
        %gather3A_589 = arith.constant 0 : i32
        %gather3A_590 = arith.constant 0 : i32
        %gather3A_591 = tpu.memref_slice %arg8[%gather3A_588, %gather3A_589, %gather3A_590] : memref<2x128x128xf32, #tpu.memory_space<vmem>> -> memref<1x128x128xf32, #tpu.memory_space<vmem>>
        %gather3A_592 = tpu.memref_squeeze %gather3A_591 : memref<1x128x128xf32, #tpu.memory_space<vmem>> -> memref<128x128xf32, #tpu.memory_space<vmem>>
        %gather3A_593 = tpu.vector_load_idx %gather3A_592[%add3A_549, %add3A_587] : memref<128x128xf32, #tpu.memory_space<vmem>>[vector<16xi32>, vector<16xi32>], vector<16xf32>,
        %iota3A_594 = tpu.iota {dimensions = array<i32: 0>} : vector<16xi32>
        %add3A_595 = arith.constant 96 : i32
        %add3A_596 = vector.broadcast %add3A_595 : i32 to vector<16xi32>
        %add3A_597 = arith.addi %iota3A_594, %add3A_596 : vector<16xi32>
        %get3A_598 = arith.constant 0 : i32
        %get3A_599 = arith.index_cast %get3A_598 : i32 to index
        %get3A_600 = arith.constant 96 : index
        %get3A_601 = tpu.vector_load %arg7[%get3A_599, %get3A_600] {strides = array<i32>} : memref<2x128xi32, #tpu.memory_space<vmem>>, vector<16xi32>,
        %add3A_602 = arith.constant 0 : i32
        %add3A_603 = arith.addi %mul3A_307, %add3A_602 : i32
        %add3A_604 = vector.broadcast %add3A_603 : i32 to vector<16xi32>
        %add3A_605 = arith.addi %get3A_601, %add3A_604 : vector<16xi32>
        %gather3A_606 = arith.constant 0 : i32
        %gather3A_607 = arith.constant 0 : i32
        %gather3A_608 = arith.constant 0 : i32
        %gather3A_609 = tpu.memref_slice %arg8[%gather3A_606, %gather3A_607, %gather3A_608] : memref<2x128x128xf32, #tpu.memory_space<vmem>> -> memref<1x128x128xf32, #tpu.memory_space<vmem>>
        %gather3A_610 = tpu.memref_squeeze %gather3A_609 : memref<1x128x128xf32, #tpu.memory_space<vmem>> -> memref<128x128xf32, #tpu.memory_space<vmem>>
        %gather3A_611 = tpu.vector_load_idx %gather3A_610[%add3A_597, %add3A_605] : memref<128x128xf32, #tpu.memory_space<vmem>>[vector<16xi32>, vector<16xi32>], vector<16xf32>,
        %add3A_612 = arith.constant 1 : i32
        %add3A_613 = arith.addi %mul3A_307, %add3A_612 : i32
        %add3A_614 = vector.broadcast %add3A_613 : i32 to vector<16xi32>
        %add3A_615 = arith.addi %get3A_601, %add3A_614 : vector<16xi32>
        %gather3A_616 = arith.constant 0 : i32
        %gather3A_617 = arith.constant 0 : i32
        %gather3A_618 = arith.constant 0 : i32
        %gather3A_619 = tpu.memref_slice %arg8[%gather3A_616, %gather3A_617, %gather3A_618] : memref<2x128x128xf32, #tpu.memory_space<vmem>> -> memref<1x128x128xf32, #tpu.memory_space<vmem>>
        %gather3A_620 = tpu.memref_squeeze %gather3A_619 : memref<1x128x128xf32, #tpu.memory_space<vmem>> -> memref<128x128xf32, #tpu.memory_space<vmem>>
        %gather3A_621 = tpu.vector_load_idx %gather3A_620[%add3A_597, %add3A_615] : memref<128x128xf32, #tpu.memory_space<vmem>>[vector<16xi32>, vector<16xi32>], vector<16xf32>,
        %add3A_622 = arith.constant 2 : i32
        %add3A_623 = arith.addi %mul3A_307, %add3A_622 : i32
        %add3A_624 = vector.broadcast %add3A_623 : i32 to vector<16xi32>
        %add3A_625 = arith.addi %get3A_601, %add3A_624 : vector<16xi32>
        %gather3A_626 = arith.constant 0 : i32
        %gather3A_627 = arith.constant 0 : i32
        %gather3A_628 = arith.constant 0 : i32
        %gather3A_629 = tpu.memref_slice %arg8[%gather3A_626, %gather3A_627, %gather3A_628] : memref<2x128x128xf32, #tpu.memory_space<vmem>> -> memref<1x128x128xf32, #tpu.memory_space<vmem>>
        %gather3A_630 = tpu.memref_squeeze %gather3A_629 : memref<1x128x128xf32, #tpu.memory_space<vmem>> -> memref<128x128xf32, #tpu.memory_space<vmem>>
        %gather3A_631 = tpu.vector_load_idx %gather3A_630[%add3A_597, %add3A_625] : memref<128x128xf32, #tpu.memory_space<vmem>>[vector<16xi32>, vector<16xi32>], vector<16xf32>,
        %add3A_632 = arith.constant 3 : i32
        %add3A_633 = arith.addi %mul3A_307, %add3A_632 : i32
        %add3A_634 = vector.broadcast %add3A_633 : i32 to vector<16xi32>
        %add3A_635 = arith.addi %get3A_601, %add3A_634 : vector<16xi32>
        %gather3A_636 = arith.constant 0 : i32
        %gather3A_637 = arith.constant 0 : i32
        %gather3A_638 = arith.constant 0 : i32
        %gather3A_639 = tpu.memref_slice %arg8[%gather3A_636, %gather3A_637, %gather3A_638] : memref<2x128x128xf32, #tpu.memory_space<vmem>> -> memref<1x128x128xf32, #tpu.memory_space<vmem>>
        %gather3A_640 = tpu.memref_squeeze %gather3A_639 : memref<1x128x128xf32, #tpu.memory_space<vmem>> -> memref<128x128xf32, #tpu.memory_space<vmem>>
        %gather3A_641 = tpu.vector_load_idx %gather3A_640[%add3A_597, %add3A_635] : memref<128x128xf32, #tpu.memory_space<vmem>>[vector<16xi32>, vector<16xi32>], vector<16xf32>,
        %iota3A_642 = tpu.iota {dimensions = array<i32: 0>} : vector<16xi32>
        %add3A_643 = arith.constant 112 : i32
        %add3A_644 = vector.broadcast %add3A_643 : i32 to vector<16xi32>
        %add3A_645 = arith.addi %iota3A_642, %add3A_644 : vector<16xi32>
        %get3A_646 = arith.constant 0 : i32
        %get3A_647 = arith.index_cast %get3A_646 : i32 to index
        %get3A_648 = arith.constant 112 : index
        %get3A_649 = tpu.vector_load %arg7[%get3A_647, %get3A_648] {strides = array<i32>} : memref<2x128xi32, #tpu.memory_space<vmem>>, vector<16xi32>,
        %add3A_650 = arith.constant 0 : i32
        %add3A_651 = arith.addi %mul3A_307, %add3A_650 : i32
        %add3A_652 = vector.broadcast %add3A_651 : i32 to vector<16xi32>
        %add3A_653 = arith.addi %get3A_649, %add3A_652 : vector<16xi32>
        %gather3A_654 = arith.constant 0 : i32
        %gather3A_655 = arith.constant 0 : i32
        %gather3A_656 = arith.constant 0 : i32
        %gather3A_657 = tpu.memref_slice %arg8[%gather3A_654, %gather3A_655, %gather3A_656] : memref<2x128x128xf32, #tpu.memory_space<vmem>> -> memref<1x128x128xf32, #tpu.memory_space<vmem>>
        %gather3A_658 = tpu.memref_squeeze %gather3A_657 : memref<1x128x128xf32, #tpu.memory_space<vmem>> -> memref<128x128xf32, #tpu.memory_space<vmem>>
        %gather3A_659 = tpu.vector_load_idx %gather3A_658[%add3A_645, %add3A_653] : memref<128x128xf32, #tpu.memory_space<vmem>>[vector<16xi32>, vector<16xi32>], vector<16xf32>,
        %add3A_660 = arith.constant 1 : i32
        %add3A_661 = arith.addi %mul3A_307, %add3A_660 : i32
        %add3A_662 = vector.broadcast %add3A_661 : i32 to vector<16xi32>
        %add3A_663 = arith.addi %get3A_649, %add3A_662 : vector<16xi32>
        %gather3A_664 = arith.constant 0 : i32
        %gather3A_665 = arith.constant 0 : i32
        %gather3A_666 = arith.constant 0 : i32
        %gather3A_667 = tpu.memref_slice %arg8[%gather3A_664, %gather3A_665, %gather3A_666] : memref<2x128x128xf32, #tpu.memory_space<vmem>> -> memref<1x128x128xf32, #tpu.memory_space<vmem>>
        %gather3A_668 = tpu.memref_squeeze %gather3A_667 : memref<1x128x128xf32, #tpu.memory_space<vmem>> -> memref<128x128xf32, #tpu.memory_space<vmem>>
        %gather3A_669 = tpu.vector_load_idx %gather3A_668[%add3A_645, %add3A_663] : memref<128x128xf32, #tpu.memory_space<vmem>>[vector<16xi32>, vector<16xi32>], vector<16xf32>,
        %add3A_670 = arith.constant 2 : i32
        %add3A_671 = arith.addi %mul3A_307, %add3A_670 : i32
        %add3A_672 = vector.broadcast %add3A_671 : i32 to vector<16xi32>
        %add3A_673 = arith.addi %get3A_649, %add3A_672 : vector<16xi32>
        %gather3A_674 = arith.constant 0 : i32
        %gather3A_675 = arith.constant 0 : i32
        %gather3A_676 = arith.constant 0 : i32
        %gather3A_677 = tpu.memref_slice %arg8[%gather3A_674, %gather3A_675, %gather3A_676] : memref<2x128x128xf32, #tpu.memory_space<vmem>> -> memref<1x128x128xf32, #tpu.memory_space<vmem>>
        %gather3A_678 = tpu.memref_squeeze %gather3A_677 : memref<1x128x128xf32, #tpu.memory_space<vmem>> -> memref<128x128xf32, #tpu.memory_space<vmem>>
        %gather3A_679 = tpu.vector_load_idx %gather3A_678[%add3A_645, %add3A_673] : memref<128x128xf32, #tpu.memory_space<vmem>>[vector<16xi32>, vector<16xi32>], vector<16xf32>,
        %add3A_680 = arith.constant 3 : i32
        %add3A_681 = arith.addi %mul3A_307, %add3A_680 : i32
        %add3A_682 = vector.broadcast %add3A_681 : i32 to vector<16xi32>
        %add3A_683 = arith.addi %get3A_649, %add3A_682 : vector<16xi32>
        %gather3A_684 = arith.constant 0 : i32
        %gather3A_685 = arith.constant 0 : i32
        %gather3A_686 = arith.constant 0 : i32
        %gather3A_687 = tpu.memref_slice %arg8[%gather3A_684, %gather3A_685, %gather3A_686] : memref<2x128x128xf32, #tpu.memory_space<vmem>> -> memref<1x128x128xf32, #tpu.memory_space<vmem>>
        %gather3A_688 = tpu.memref_squeeze %gather3A_687 : memref<1x128x128xf32, #tpu.memory_space<vmem>> -> memref<128x128xf32, #tpu.memory_space<vmem>>
        %gather3A_689 = tpu.vector_load_idx %gather3A_688[%add3A_645, %add3A_683] : memref<128x128xf32, #tpu.memory_space<vmem>>[vector<16xi32>, vector<16xi32>], vector<16xf32>,
        %add3A_690 = arith.constant 0 : i32
        %add3A_691 = arith.addi %mul3A_307, %add3A_690 : i32
        %swap3A_692 = arith.constant 0 : i32
        %swap3A_693 = arith.index_cast %swap3A_692 : i32 to index
        %swap3A_694 = arith.index_cast %add3A_691 : i32 to index
        %swap3A_695 = arith.constant 0 : index
        %swap3A_696 = tpu.vector_load %arg9[%swap3A_693, %swap3A_694, %swap3A_695] {strides = array<i32>} : memref<2x64x128xf32, #tpu.memory_space<vmem>>, vector<16xf32>,
        tpu.vector_store %arg9[%swap3A_693, %swap3A_694, %swap3A_695], %gather3A_323 {strides = array<i32>} : memref<2x64x128xf32, #tpu.memory_space<vmem>>, vector<16xf32>,
        %add3A_697 = arith.constant 1 : i32
        %add3A_698 = arith.addi %mul3A_307, %add3A_697 : i32
        %swap3A_699 = arith.constant 0 : i32
        %swap3A_700 = arith.index_cast %swap3A_699 : i32 to index
        %swap3A_701 = arith.index_cast %add3A_698 : i32 to index
        %swap3A_702 = arith.constant 0 : index
        %swap3A_703 = tpu.vector_load %arg9[%swap3A_700, %swap3A_701, %swap3A_702] {strides = array<i32>} : memref<2x64x128xf32, #tpu.memory_space<vmem>>, vector<16xf32>,
        tpu.vector_store %arg9[%swap3A_700, %swap3A_701, %swap3A_702], %gather3A_333 {strides = array<i32>} : memref<2x64x128xf32, #tpu.memory_space<vmem>>, vector<16xf32>,
        %add3A_704 = arith.constant 2 : i32
        %add3A_705 = arith.addi %mul3A_307, %add3A_704 : i32
        %swap3A_706 = arith.constant 0 : i32
        %swap3A_707 = arith.index_cast %swap3A_706 : i32 to index
        %swap3A_708 = arith.index_cast %add3A_705 : i32 to index
        %swap3A_709 = arith.constant 0 : index
        %swap3A_710 = tpu.vector_load %arg9[%swap3A_707, %swap3A_708, %swap3A_709] {strides = array<i32>} : memref<2x64x128xf32, #tpu.memory_space<vmem>>, vector<16xf32>,
        tpu.vector_store %arg9[%swap3A_707, %swap3A_708, %swap3A_709], %gather3A_343 {strides = array<i32>} : memref<2x64x128xf32, #tpu.memory_space<vmem>>, vector<16xf32>,
        %add3A_711 = arith.constant 3 : i32
        %add3A_712 = arith.addi %mul3A_307, %add3A_711 : i32
        %swap3A_713 = arith.constant 0 : i32
        %swap3A_714 = arith.index_cast %swap3A_713 : i32 to index
        %swap3A_715 = arith.index_cast %add3A_712 : i32 to index
        %swap3A_716 = arith.constant 0 : index
        %swap3A_717 = tpu.vector_load %arg9[%swap3A_714, %swap3A_715, %swap3A_716] {strides = array<i32>} : memref<2x64x128xf32, #tpu.memory_space<vmem>>, vector<16xf32>,
        tpu.vector_store %arg9[%swap3A_714, %swap3A_715, %swap3A_716], %gather3A_353 {strides = array<i32>} : memref<2x64x128xf32, #tpu.memory_space<vmem>>, vector<16xf32>,
        %add3A_718 = arith.constant 0 : i32
        %add3A_719 = arith.addi %mul3A_307, %add3A_718 : i32
        %swap3A_720 = arith.constant 0 : i32
        %swap3A_721 = arith.index_cast %swap3A_720 : i32 to index
        %swap3A_722 = arith.index_cast %add3A_719 : i32 to index
        %swap3A_723 = arith.constant 16 : index
        %swap3A_724 = tpu.vector_load %arg9[%swap3A_721, %swap3A_722, %swap3A_723] {strides = array<i32>} : memref<2x64x128xf32, #tpu.memory_space<vmem>>, vector<16xf32>,
        tpu.vector_store %arg9[%swap3A_721, %swap3A_722, %swap3A_723], %gather3A_371 {strides = array<i32>} : memref<2x64x128xf32, #tpu.memory_space<vmem>>, vector<16xf32>,
        %add3A_725 = arith.constant 1 : i32
        %add3A_726 = arith.addi %mul3A_307, %add3A_725 : i32
        %swap3A_727 = arith.constant 0 : i32
        %swap3A_728 = arith.index_cast %swap3A_727 : i32 to index
        %swap3A_729 = arith.index_cast %add3A_726 : i32 to index
        %swap3A_730 = arith.constant 16 : index
        %swap3A_731 = tpu.vector_load %arg9[%swap3A_728, %swap3A_729, %swap3A_730] {strides = array<i32>} : memref<2x64x128xf32, #tpu.memory_space<vmem>>, vector<16xf32>,
        tpu.vector_store %arg9[%swap3A_728, %swap3A_729, %swap3A_730], %gather3A_381 {strides = array<i32>} : memref<2x64x128xf32, #tpu.memory_space<vmem>>, vector<16xf32>,
        %add3A_732 = arith.constant 2 : i32
        %add3A_733 = arith.addi %mul3A_307, %add3A_732 : i32
        %swap3A_734 = arith.constant 0 : i32
        %swap3A_735 = arith.index_cast %swap3A_734 : i32 to index
        %swap3A_736 = arith.index_cast %add3A_733 : i32 to index
        %swap3A_737 = arith.constant 16 : index
        %swap3A_738 = tpu.vector_load %arg9[%swap3A_735, %swap3A_736, %swap3A_737] {strides = array<i32>} : memref<2x64x128xf32, #tpu.memory_space<vmem>>, vector<16xf32>,
        tpu.vector_store %arg9[%swap3A_735, %swap3A_736, %swap3A_737], %gather3A_391 {strides = array<i32>} : memref<2x64x128xf32, #tpu.memory_space<vmem>>, vector<16xf32>,
        %add3A_739 = arith.constant 3 : i32
        %add3A_740 = arith.addi %mul3A_307, %add3A_739 : i32
        %swap3A_741 = arith.constant 0 : i32
        %swap3A_742 = arith.index_cast %swap3A_741 : i32 to index
        %swap3A_743 = arith.index_cast %add3A_740 : i32 to index
        %swap3A_744 = arith.constant 16 : index
        %swap3A_745 = tpu.vector_load %arg9[%swap3A_742, %swap3A_743, %swap3A_744] {strides = array<i32>} : memref<2x64x128xf32, #tpu.memory_space<vmem>>, vector<16xf32>,
        tpu.vector_store %arg9[%swap3A_742, %swap3A_743, %swap3A_744], %gather3A_401 {strides = array<i32>} : memref<2x64x128xf32, #tpu.memory_space<vmem>>, vector<16xf32>,
        %add3A_746 = arith.constant 0 : i32
        %add3A_747 = arith.addi %mul3A_307, %add3A_746 : i32
        %swap3A_748 = arith.constant 0 : i32
        %swap3A_749 = arith.index_cast %swap3A_748 : i32 to index
        %swap3A_750 = arith.index_cast %add3A_747 : i32 to index
        %swap3A_751 = arith.constant 32 : index
        %swap3A_752 = tpu.vector_load %arg9[%swap3A_749, %swap3A_750, %swap3A_751] {strides = array<i32>} : memref<2x64x128xf32, #tpu.memory_space<vmem>>, vector<16xf32>,
        tpu.vector_store %arg9[%swap3A_749, %swap3A_750, %swap3A_751], %gather3A_419 {strides = array<i32>} : memref<2x64x128xf32, #tpu.memory_space<vmem>>, vector<16xf32>,
        %add3A_753 = arith.constant 1 : i32
        %add3A_754 = arith.addi %mul3A_307, %add3A_753 : i32
        %swap3A_755 = arith.constant 0 : i32
        %swap3A_756 = arith.index_cast %swap3A_755 : i32 to index
        %swap3A_757 = arith.index_cast %add3A_754 : i32 to index
        %swap3A_758 = arith.constant 32 : index
        %swap3A_759 = tpu.vector_load %arg9[%swap3A_756, %swap3A_757, %swap3A_758] {strides = array<i32>} : memref<2x64x128xf32, #tpu.memory_space<vmem>>, vector<16xf32>,
        tpu.vector_store %arg9[%swap3A_756, %swap3A_757, %swap3A_758], %gather3A_429 {strides = array<i32>} : memref<2x64x128xf32, #tpu.memory_space<vmem>>, vector<16xf32>,
        %add3A_760 = arith.constant 2 : i32
        %add3A_761 = arith.addi %mul3A_307, %add3A_760 : i32
        %swap3A_762 = arith.constant 0 : i32
        %swap3A_763 = arith.index_cast %swap3A_762 : i32 to index
        %swap3A_764 = arith.index_cast %add3A_761 : i32 to index
        %swap3A_765 = arith.constant 32 : index
        %swap3A_766 = tpu.vector_load %arg9[%swap3A_763, %swap3A_764, %swap3A_765] {strides = array<i32>} : memref<2x64x128xf32, #tpu.memory_space<vmem>>, vector<16xf32>,
        tpu.vector_store %arg9[%swap3A_763, %swap3A_764, %swap3A_765], %gather3A_439 {strides = array<i32>} : memref<2x64x128xf32, #tpu.memory_space<vmem>>, vector<16xf32>,
        %add3A_767 = arith.constant 3 : i32
        %add3A_768 = arith.addi %mul3A_307, %add3A_767 : i32
        %swap3A_769 = arith.constant 0 : i32
        %swap3A_770 = arith.index_cast %swap3A_769 : i32 to index
        %swap3A_771 = arith.index_cast %add3A_768 : i32 to index
        %swap3A_772 = arith.constant 32 : index
        %swap3A_773 = tpu.vector_load %arg9[%swap3A_770, %swap3A_771, %swap3A_772] {strides = array<i32>} : memref<2x64x128xf32, #tpu.memory_space<vmem>>, vector<16xf32>,
        tpu.vector_store %arg9[%swap3A_770, %swap3A_771, %swap3A_772], %gather3A_449 {strides = array<i32>} : memref<2x64x128xf32, #tpu.memory_space<vmem>>, vector<16xf32>,
        %add3A_774 = arith.constant 0 : i32
        %add3A_775 = arith.addi %mul3A_307, %add3A_774 : i32
        %swap3A_776 = arith.constant 0 : i32
        %swap3A_777 = arith.index_cast %swap3A_776 : i32 to index
        %swap3A_778 = arith.index_cast %add3A_775 : i32 to index
        %swap3A_779 = arith.constant 48 : index
        %swap3A_780 = tpu.vector_load %arg9[%swap3A_777, %swap3A_778, %swap3A_779] {strides = array<i32>} : memref<2x64x128xf32, #tpu.memory_space<vmem>>, vector<16xf32>,
        tpu.vector_store %arg9[%swap3A_777, %swap3A_778, %swap3A_779], %gather3A_467 {strides = array<i32>} : memref<2x64x128xf32, #tpu.memory_space<vmem>>, vector<16xf32>,
        %add3A_781 = arith.constant 1 : i32
        %add3A_782 = arith.addi %mul3A_307, %add3A_781 : i32
        %swap3A_783 = arith.constant 0 : i32
        %swap3A_784 = arith.index_cast %swap3A_783 : i32 to index
        %swap3A_785 = arith.index_cast %add3A_782 : i32 to index
        %swap3A_786 = arith.constant 48 : index
        %swap3A_787 = tpu.vector_load %arg9[%swap3A_784, %swap3A_785, %swap3A_786] {strides = array<i32>} : memref<2x64x128xf32, #tpu.memory_space<vmem>>, vector<16xf32>,
        tpu.vector_store %arg9[%swap3A_784, %swap3A_785, %swap3A_786], %gather3A_477 {strides = array<i32>} : memref<2x64x128xf32, #tpu.memory_space<vmem>>, vector<16xf32>,
        %add3A_788 = arith.constant 2 : i32
        %add3A_789 = arith.addi %mul3A_307, %add3A_788 : i32
        %swap3A_790 = arith.constant 0 : i32
        %swap3A_791 = arith.index_cast %swap3A_790 : i32 to index
        %swap3A_792 = arith.index_cast %add3A_789 : i32 to index
        %swap3A_793 = arith.constant 48 : index
        %swap3A_794 = tpu.vector_load %arg9[%swap3A_791, %swap3A_792, %swap3A_793] {strides = array<i32>} : memref<2x64x128xf32, #tpu.memory_space<vmem>>, vector<16xf32>,
        tpu.vector_store %arg9[%swap3A_791, %swap3A_792, %swap3A_793], %gather3A_487 {strides = array<i32>} : memref<2x64x128xf32, #tpu.memory_space<vmem>>, vector<16xf32>,
        %add3A_795 = arith.constant 3 : i32
        %add3A_796 = arith.addi %mul3A_307, %add3A_795 : i32
        %swap3A_797 = arith.constant 0 : i32
        %swap3A_798 = arith.index_cast %swap3A_797 : i32 to index
        %swap3A_799 = arith.index_cast %add3A_796 : i32 to index
        %swap3A_800 = arith.constant 48 : index
        %swap3A_801 = tpu.vector_load %arg9[%swap3A_798, %swap3A_799, %swap3A_800] {strides = array<i32>} : memref<2x64x128xf32, #tpu.memory_space<vmem>>, vector<16xf32>,
        tpu.vector_store %arg9[%swap3A_798, %swap3A_799, %swap3A_800], %gather3A_497 {strides = array<i32>} : memref<2x64x128xf32, #tpu.memory_space<vmem>>, vector<16xf32>,
        %add3A_802 = arith.constant 0 : i32
        %add3A_803 = arith.addi %mul3A_307, %add3A_802 : i32
        %swap3A_804 = arith.constant 0 : i32
        %swap3A_805 = arith.index_cast %swap3A_804 : i32 to index
        %swap3A_806 = arith.index_cast %add3A_803 : i32 to index
        %swap3A_807 = arith.constant 64 : index
        %swap3A_808 = tpu.vector_load %arg9[%swap3A_805, %swap3A_806, %swap3A_807] {strides = array<i32>} : memref<2x64x128xf32, #tpu.memory_space<vmem>>, vector<16xf32>,
        tpu.vector_store %arg9[%swap3A_805, %swap3A_806, %swap3A_807], %gather3A_515 {strides = array<i32>} : memref<2x64x128xf32, #tpu.memory_space<vmem>>, vector<16xf32>,
        %add3A_809 = arith.constant 1 : i32
        %add3A_810 = arith.addi %mul3A_307, %add3A_809 : i32
        %swap3A_811 = arith.constant 0 : i32
        %swap3A_812 = arith.index_cast %swap3A_811 : i32 to index
        %swap3A_813 = arith.index_cast %add3A_810 : i32 to index
        %swap3A_814 = arith.constant 64 : index
        %swap3A_815 = tpu.vector_load %arg9[%swap3A_812, %swap3A_813, %swap3A_814] {strides = array<i32>} : memref<2x64x128xf32, #tpu.memory_space<vmem>>, vector<16xf32>,
        tpu.vector_store %arg9[%swap3A_812, %swap3A_813, %swap3A_814], %gather3A_525 {strides = array<i32>} : memref<2x64x128xf32, #tpu.memory_space<vmem>>, vector<16xf32>,
        %add3A_816 = arith.constant 2 : i32
        %add3A_817 = arith.addi %mul3A_307, %add3A_816 : i32
        %swap3A_818 = arith.constant 0 : i32
        %swap3A_819 = arith.index_cast %swap3A_818 : i32 to index
        %swap3A_820 = arith.index_cast %add3A_817 : i32 to index
        %swap3A_821 = arith.constant 64 : index
        %swap3A_822 = tpu.vector_load %arg9[%swap3A_819, %swap3A_820, %swap3A_821] {strides = array<i32>} : memref<2x64x128xf32, #tpu.memory_space<vmem>>, vector<16xf32>,
        tpu.vector_store %arg9[%swap3A_819, %swap3A_820, %swap3A_821], %gather3A_535 {strides = array<i32>} : memref<2x64x128xf32, #tpu.memory_space<vmem>>, vector<16xf32>,
        %add3A_823 = arith.constant 3 : i32
        %add3A_824 = arith.addi %mul3A_307, %add3A_823 : i32
        %swap3A_825 = arith.constant 0 : i32
        %swap3A_826 = arith.index_cast %swap3A_825 : i32 to index
        %swap3A_827 = arith.index_cast %add3A_824 : i32 to index
        %swap3A_828 = arith.constant 64 : index
        %swap3A_829 = tpu.vector_load %arg9[%swap3A_826, %swap3A_827, %swap3A_828] {strides = array<i32>} : memref<2x64x128xf32, #tpu.memory_space<vmem>>, vector<16xf32>,
        tpu.vector_store %arg9[%swap3A_826, %swap3A_827, %swap3A_828], %gather3A_545 {strides = array<i32>} : memref<2x64x128xf32, #tpu.memory_space<vmem>>, vector<16xf32>,
        %add3A_830 = arith.constant 0 : i32
        %add3A_831 = arith.addi %mul3A_307, %add3A_830 : i32
        %swap3A_832 = arith.constant 0 : i32
        %swap3A_833 = arith.index_cast %swap3A_832 : i32 to index
        %swap3A_834 = arith.index_cast %add3A_831 : i32 to index
        %swap3A_835 = arith.constant 80 : index
        %swap3A_836 = tpu.vector_load %arg9[%swap3A_833, %swap3A_834, %swap3A_835] {strides = array<i32>} : memref<2x64x128xf32, #tpu.memory_space<vmem>>, vector<16xf32>,
        tpu.vector_store %arg9[%swap3A_833, %swap3A_834, %swap3A_835], %gather3A_563 {strides = array<i32>} : memref<2x64x128xf32, #tpu.memory_space<vmem>>, vector<16xf32>,
        %add3A_837 = arith.constant 1 : i32
        %add3A_838 = arith.addi %mul3A_307, %add3A_837 : i32
        %swap3A_839 = arith.constant 0 : i32
        %swap3A_840 = arith.index_cast %swap3A_839 : i32 to index
        %swap3A_841 = arith.index_cast %add3A_838 : i32 to index
        %swap3A_842 = arith.constant 80 : index
        %swap3A_843 = tpu.vector_load %arg9[%swap3A_840, %swap3A_841, %swap3A_842] {strides = array<i32>} : memref<2x64x128xf32, #tpu.memory_space<vmem>>, vector<16xf32>,
        tpu.vector_store %arg9[%swap3A_840, %swap3A_841, %swap3A_842], %gather3A_573 {strides = array<i32>} : memref<2x64x128xf32, #tpu.memory_space<vmem>>, vector<16xf32>,
        %add3A_844 = arith.constant 2 : i32
        %add3A_845 = arith.addi %mul3A_307, %add3A_844 : i32
        %swap3A_846 = arith.constant 0 : i32
        %swap3A_847 = arith.index_cast %swap3A_846 : i32 to index
        %swap3A_848 = arith.index_cast %add3A_845 : i32 to index
        %swap3A_849 = arith.constant 80 : index
        %swap3A_850 = tpu.vector_load %arg9[%swap3A_847, %swap3A_848, %swap3A_849] {strides = array<i32>} : memref<2x64x128xf32, #tpu.memory_space<vmem>>, vector<16xf32>,
        tpu.vector_store %arg9[%swap3A_847, %swap3A_848, %swap3A_849], %gather3A_583 {strides = array<i32>} : memref<2x64x128xf32, #tpu.memory_space<vmem>>, vector<16xf32>,
        %add3A_851 = arith.constant 3 : i32
        %add3A_852 = arith.addi %mul3A_307, %add3A_851 : i32
        %swap3A_853 = arith.constant 0 : i32
        %swap3A_854 = arith.index_cast %swap3A_853 : i32 to index
        %swap3A_855 = arith.index_cast %add3A_852 : i32 to index
        %swap3A_856 = arith.constant 80 : index
        %swap3A_857 = tpu.vector_load %arg9[%swap3A_854, %swap3A_855, %swap3A_856] {strides = array<i32>} : memref<2x64x128xf32, #tpu.memory_space<vmem>>, vector<16xf32>,
        tpu.vector_store %arg9[%swap3A_854, %swap3A_855, %swap3A_856], %gather3A_593 {strides = array<i32>} : memref<2x64x128xf32, #tpu.memory_space<vmem>>, vector<16xf32>,
        %add3A_858 = arith.constant 0 : i32
        %add3A_859 = arith.addi %mul3A_307, %add3A_858 : i32
        %swap3A_860 = arith.constant 0 : i32
        %swap3A_861 = arith.index_cast %swap3A_860 : i32 to index
        %swap3A_862 = arith.index_cast %add3A_859 : i32 to index
        %swap3A_863 = arith.constant 96 : index
        %swap3A_864 = tpu.vector_load %arg9[%swap3A_861, %swap3A_862, %swap3A_863] {strides = array<i32>} : memref<2x64x128xf32, #tpu.memory_space<vmem>>, vector<16xf32>,
        tpu.vector_store %arg9[%swap3A_861, %swap3A_862, %swap3A_863], %gather3A_611 {strides = array<i32>} : memref<2x64x128xf32, #tpu.memory_space<vmem>>, vector<16xf32>,
        %add3A_865 = arith.constant 1 : i32
        %add3A_866 = arith.addi %mul3A_307, %add3A_865 : i32
        %swap3A_867 = arith.constant 0 : i32
        %swap3A_868 = arith.index_cast %swap3A_867 : i32 to index
        %swap3A_869 = arith.index_cast %add3A_866 : i32 to index
        %swap3A_870 = arith.constant 96 : index
        %swap3A_871 = tpu.vector_load %arg9[%swap3A_868, %swap3A_869, %swap3A_870] {strides = array<i32>} : memref<2x64x128xf32, #tpu.memory_space<vmem>>, vector<16xf32>,
        tpu.vector_store %arg9[%swap3A_868, %swap3A_869, %swap3A_870], %gather3A_621 {strides = array<i32>} : memref<2x64x128xf32, #tpu.memory_space<vmem>>, vector<16xf32>,
        %add3A_872 = arith.constant 2 : i32
        %add3A_873 = arith.addi %mul3A_307, %add3A_872 : i32
        %swap3A_874 = arith.constant 0 : i32
        %swap3A_875 = arith.index_cast %swap3A_874 : i32 to index
        %swap3A_876 = arith.index_cast %add3A_873 : i32 to index
        %swap3A_877 = arith.constant 96 : index
        %swap3A_878 = tpu.vector_load %arg9[%swap3A_875, %swap3A_876, %swap3A_877] {strides = array<i32>} : memref<2x64x128xf32, #tpu.memory_space<vmem>>, vector<16xf32>,
        tpu.vector_store %arg9[%swap3A_875, %swap3A_876, %swap3A_877], %gather3A_631 {strides = array<i32>} : memref<2x64x128xf32, #tpu.memory_space<vmem>>, vector<16xf32>,
        %add3A_879 = arith.constant 3 : i32
        %add3A_880 = arith.addi %mul3A_307, %add3A_879 : i32
        %swap3A_881 = arith.constant 0 : i32
        %swap3A_882 = arith.index_cast %swap3A_881 : i32 to index
        %swap3A_883 = arith.index_cast %add3A_880 : i32 to index
        %swap3A_884 = arith.constant 96 : index
        %swap3A_885 = tpu.vector_load %arg9[%swap3A_882, %swap3A_883, %swap3A_884] {strides = array<i32>} : memref<2x64x128xf32, #tpu.memory_space<vmem>>, vector<16xf32>,
        tpu.vector_store %arg9[%swap3A_882, %swap3A_883, %swap3A_884], %gather3A_641 {strides = array<i32>} : memref<2x64x128xf32, #tpu.memory_space<vmem>>, vector<16xf32>,
        %add3A_886 = arith.constant 0 : i32
        %add3A_887 = arith.addi %mul3A_307, %add3A_886 : i32
        %swap3A_888 = arith.constant 0 : i32
        %swap3A_889 = arith.index_cast %swap3A_888 : i32 to index
        %swap3A_890 = arith.index_cast %add3A_887 : i32 to index
        %swap3A_891 = arith.constant 112 : index
        %swap3A_892 = tpu.vector_load %arg9[%swap3A_889, %swap3A_890, %swap3A_891] {strides = array<i32>} : memref<2x64x128xf32, #tpu.memory_space<vmem>>, vector<16xf32>,
        tpu.vector_store %arg9[%swap3A_889, %swap3A_890, %swap3A_891], %gather3A_659 {strides = array<i32>} : memref<2x64x128xf32, #tpu.memory_space<vmem>>, vector<16xf32>,
        %add3A_893 = arith.constant 1 : i32
        %add3A_894 = arith.addi %mul3A_307, %add3A_893 : i32
        %swap3A_895 = arith.constant 0 : i32
        %swap3A_896 = arith.index_cast %swap3A_895 : i32 to index
        %swap3A_897 = arith.index_cast %add3A_894 : i32 to index
        %swap3A_898 = arith.constant 112 : index
        %swap3A_899 = tpu.vector_load %arg9[%swap3A_896, %swap3A_897, %swap3A_898] {strides = array<i32>} : memref<2x64x128xf32, #tpu.memory_space<vmem>>, vector<16xf32>,
        tpu.vector_store %arg9[%swap3A_896, %swap3A_897, %swap3A_898], %gather3A_669 {strides = array<i32>} : memref<2x64x128xf32, #tpu.memory_space<vmem>>, vector<16xf32>,
        %add3A_900 = arith.constant 2 : i32
        %add3A_901 = arith.addi %mul3A_307, %add3A_900 : i32
        %swap3A_902 = arith.constant 0 : i32
        %swap3A_903 = arith.index_cast %swap3A_902 : i32 to index
        %swap3A_904 = arith.index_cast %add3A_901 : i32 to index
        %swap3A_905 = arith.constant 112 : index
        %swap3A_906 = tpu.vector_load %arg9[%swap3A_903, %swap3A_904, %swap3A_905] {strides = array<i32>} : memref<2x64x128xf32, #tpu.memory_space<vmem>>, vector<16xf32>,
        tpu.vector_store %arg9[%swap3A_903, %swap3A_904, %swap3A_905], %gather3A_679 {strides = array<i32>} : memref<2x64x128xf32, #tpu.memory_space<vmem>>, vector<16xf32>,
        %add3A_907 = arith.constant 3 : i32
        %add3A_908 = arith.addi %mul3A_307, %add3A_907 : i32
        %swap3A_909 = arith.constant 0 : i32
        %swap3A_910 = arith.index_cast %swap3A_909 : i32 to index
        %swap3A_911 = arith.index_cast %add3A_908 : i32 to index
        %swap3A_912 = arith.constant 112 : index
        %swap3A_913 = tpu.vector_load %arg9[%swap3A_910, %swap3A_911, %swap3A_912] {strides = array<i32>} : memref<2x64x128xf32, #tpu.memory_space<vmem>>, vector<16xf32>,
        tpu.vector_store %arg9[%swap3A_910, %swap3A_911, %swap3A_912], %gather3A_689 {strides = array<i32>} : memref<2x64x128xf32, #tpu.memory_space<vmem>>, vector<16xf32>,
      }
      %scan3A_242 = arith.constant 16 : i32
      %dma_start3A_243 = arith.constant 0 : i32
      %dma_start3A_244 = arith.constant 0 : i32
      %dma_start3A_245 = arith.constant 0 : i32
      %dma_start3A_246 = tpu.memref_slice %arg9[%dma_start3A_243, %dma_start3A_244, %dma_start3A_245] : memref<2x64x128xf32, #tpu.memory_space<vmem>> -> memref<1x64x128xf32, #tpu.memory_space<vmem>>
      %dma_start3A_247 = tpu.memref_squeeze %dma_start3A_246 : memref<1x64x128xf32, #tpu.memory_space<vmem>> -> memref<64x128xf32, #tpu.memory_space<vmem>>
      %dma_start3A_248 = arith.constant 0 : i32
      %dma_start3A_249 = tpu.memref_slice %arg4[%add3A_218, %dma_start3A_248, %mul3A_2] : memref<200x64x4096xf32, #tpu.memory_space<hbm>> -> memref<1x64x128xf32, #tpu.memory_space<hbm>>
      %dma_start3A_250 = tpu.memref_squeeze %dma_start3A_249 : memref<1x64x128xf32, #tpu.memory_space<hbm>> -> memref<64x128xf32, #tpu.memory_space<hbm>>
      %dma_start3A_251 = arith.constant 0 : i32
      %dma_start3A_252 = tpu.memref_slice %arg4[%add3A_218, %dma_start3A_251, %mul3A_2] : memref<200x64x4096xf32, #tpu.memory_space<hbm>> -> memref<1x64x128xf32, #tpu.memory_space<hbm>>
      %dma_start3A_253 = tpu.memref_squeeze %dma_start3A_252 : memref<1x64x128xf32, #tpu.memory_space<hbm>> -> memref<64x128xf32, #tpu.memory_space<hbm>>
      %dma_start3A_254 = arith.constant 0 : i32
      %dma_start3A_255 = arith.constant 0 : i32
      %dma_start3A_256 = tpu.memref_slice %arg9[%dma_start3A_243, %dma_start3A_254, %dma_start3A_255] : memref<2x64x128xf32, #tpu.memory_space<vmem>> -> memref<1x64x128xf32, #tpu.memory_space<vmem>>
      %dma_start3A_257 = tpu.memref_squeeze %dma_start3A_256 : memref<1x64x128xf32, #tpu.memory_space<vmem>> -> memref<64x128xf32, #tpu.memory_space<vmem>>
      tpu.enqueue_dma source(%dma_start3A_257 : memref<64x128xf32, #tpu.memory_space<vmem>>) target(%dma_start3A_253 : memref<64x128xf32, #tpu.memory_space<hbm>>) target_semaphore(%arg12 : memref<!tpu.dma_semaphore, #tpu.memory_space<semaphore_mem>>)
      %mul3A_258 = arith.constant 2 : i32
      %mul3A_259 = arith.muli %mul3A_258, %scan3A_214 : i32
      %add3A_260 = arith.constant 1 : i32
      %add3A_261 = arith.addi %mul3A_259, %add3A_260 : i32
      %lt3A_262 = arith.constant 199 : i32
      %lt3A_263 = arith.cmpi slt, %add3A_261, %lt3A_262 : i32
      %convert_element_type3A_264 = arith.extui %lt3A_263 : i1 to i32
      %cond3A_265 = arith.constant 0 : i32
      %cond3A_266 = arith.cmpi ne, %convert_element_type3A_264, %cond3A_265 : i32
      scf.if %cond3A_266 {
        %add3A_305 = arith.constant 1 : i32
        %add3A_306 = arith.addi %add3A_261, %add3A_305 : i32
        %get3A_307 = arith.index_cast %add3A_306 : i32 to index
        %get3A_308 = arith.constant 0 : index
        %get3A_309 = tpu.vector_load %arg5[%get3A_307, %get3A_308] {strides = array<i32>} : memref<200x128xi32, #tpu.memory_space<vmem>>, vector<16xi32>,
        %shift_right_logical3A_310 = arith.constant 1 : i32
        %shift_right_logical3A_311 = vector.broadcast %shift_right_logical3A_310 : i32 to vector<16xi32>
        %shift_right_logical3A_312 = arith.shrui %get3A_309, %shift_right_logical3A_311 : vector<16xi32>
        %swap3A_313 = arith.constant 0 : i32
        %swap3A_314 = arith.index_cast %swap3A_313 : i32 to index
        %swap3A_315 = arith.constant 0 : index
        %swap3A_316 = tpu.vector_load %arg6[%swap3A_314, %swap3A_315] {strides = array<i32>} : memref<2x128xi32, #tpu.memory_space<vmem>>, vector<16xi32>,
        tpu.vector_store %arg6[%swap3A_314, %swap3A_315], %shift_right_logical3A_312 {strides = array<i32>} : memref<2x128xi32, #tpu.memory_space<vmem>>, vector<16xi32>,
        %and3A_317 = arith.constant 1 : i32
        %and3A_318 = vector.broadcast %and3A_317 : i32 to vector<16xi32>
        %and3A_319 = arith.andi %get3A_309, %and3A_318 : vector<16xi32>
        %mul3A_320 = arith.constant 64 : i32
        %mul3A_321 = vector.broadcast %mul3A_320 : i32 to vector<16xi32>
        %mul3A_322 = arith.muli %and3A_319, %mul3A_321 : vector<16xi32>
        %swap3A_323 = arith.constant 0 : i32
        %swap3A_324 = arith.index_cast %swap3A_323 : i32 to index
        %swap3A_325 = arith.constant 0 : index
        %swap3A_326 = tpu.vector_load %arg7[%swap3A_324, %swap3A_325] {strides = array<i32>} : memref<2x128xi32, #tpu.memory_space<vmem>>, vector<16xi32>,
        tpu.vector_store %arg7[%swap3A_324, %swap3A_325], %mul3A_322 {strides = array<i32>} : memref<2x128xi32, #tpu.memory_space<vmem>>, vector<16xi32>,
        %get3A_327 = arith.index_cast %add3A_306 : i32 to index
        %get3A_328 = arith.constant 16 : index
        %get3A_329 = tpu.vector_load %arg5[%get3A_327, %get3A_328] {strides = array<i32>} : memref<200x128xi32, #tpu.memory_space<vmem>>, vector<16xi32>,
        %shift_right_logical3A_330 = arith.constant 1 : i32
        %shift_right_logical3A_331 = vector.broadcast %shift_right_logical3A_330 : i32 to vector<16xi32>
        %shift_right_logical3A_332 = arith.shrui %get3A_329, %shift_right_logical3A_331 : vector<16xi32>
        %swap3A_333 = arith.constant 0 : i32
        %swap3A_334 = arith.index_cast %swap3A_333 : i32 to index
        %swap3A_335 = arith.constant 16 : index
        %swap3A_336 = tpu.vector_load %arg6[%swap3A_334, %swap3A_335] {strides = array<i32>} : memref<2x128xi32, #tpu.memory_space<vmem>>, vector<16xi32>,
        tpu.vector_store %arg6[%swap3A_334, %swap3A_335], %shift_right_logical3A_332 {strides = array<i32>} : memref<2x128xi32, #tpu.memory_space<vmem>>, vector<16xi32>,
        %and3A_337 = arith.constant 1 : i32
        %and3A_338 = vector.broadcast %and3A_337 : i32 to vector<16xi32>
        %and3A_339 = arith.andi %get3A_329, %and3A_338 : vector<16xi32>
        %mul3A_340 = arith.constant 64 : i32
        %mul3A_341 = vector.broadcast %mul3A_340 : i32 to vector<16xi32>
        %mul3A_342 = arith.muli %and3A_339, %mul3A_341 : vector<16xi32>
        %swap3A_343 = arith.constant 0 : i32
        %swap3A_344 = arith.index_cast %swap3A_343 : i32 to index
        %swap3A_345 = arith.constant 16 : index
        %swap3A_346 = tpu.vector_load %arg7[%swap3A_344, %swap3A_345] {strides = array<i32>} : memref<2x128xi32, #tpu.memory_space<vmem>>, vector<16xi32>,
        tpu.vector_store %arg7[%swap3A_344, %swap3A_345], %mul3A_342 {strides = array<i32>} : memref<2x128xi32, #tpu.memory_space<vmem>>, vector<16xi32>,
        %get3A_347 = arith.index_cast %add3A_306 : i32 to index
        %get3A_348 = arith.constant 32 : index
        %get3A_349 = tpu.vector_load %arg5[%get3A_347, %get3A_348] {strides = array<i32>} : memref<200x128xi32, #tpu.memory_space<vmem>>, vector<16xi32>,
        %shift_right_logical3A_350 = arith.constant 1 : i32
        %shift_right_logical3A_351 = vector.broadcast %shift_right_logical3A_350 : i32 to vector<16xi32>
        %shift_right_logical3A_352 = arith.shrui %get3A_349, %shift_right_logical3A_351 : vector<16xi32>
        %swap3A_353 = arith.constant 0 : i32
        %swap3A_354 = arith.index_cast %swap3A_353 : i32 to index
        %swap3A_355 = arith.constant 32 : index
        %swap3A_356 = tpu.vector_load %arg6[%swap3A_354, %swap3A_355] {strides = array<i32>} : memref<2x128xi32, #tpu.memory_space<vmem>>, vector<16xi32>,
        tpu.vector_store %arg6[%swap3A_354, %swap3A_355], %shift_right_logical3A_352 {strides = array<i32>} : memref<2x128xi32, #tpu.memory_space<vmem>>, vector<16xi32>,
        %and3A_357 = arith.constant 1 : i32
        %and3A_358 = vector.broadcast %and3A_357 : i32 to vector<16xi32>
        %and3A_359 = arith.andi %get3A_349, %and3A_358 : vector<16xi32>
        %mul3A_360 = arith.constant 64 : i32
        %mul3A_361 = vector.broadcast %mul3A_360 : i32 to vector<16xi32>
        %mul3A_362 = arith.muli %and3A_359, %mul3A_361 : vector<16xi32>
        %swap3A_363 = arith.constant 0 : i32
        %swap3A_364 = arith.index_cast %swap3A_363 : i32 to index
        %swap3A_365 = arith.constant 32 : index
        %swap3A_366 = tpu.vector_load %arg7[%swap3A_364, %swap3A_365] {strides = array<i32>} : memref<2x128xi32, #tpu.memory_space<vmem>>, vector<16xi32>,
        tpu.vector_store %arg7[%swap3A_364, %swap3A_365], %mul3A_362 {strides = array<i32>} : memref<2x128xi32, #tpu.memory_space<vmem>>, vector<16xi32>,
        %get3A_367 = arith.index_cast %add3A_306 : i32 to index
        %get3A_368 = arith.constant 48 : index
        %get3A_369 = tpu.vector_load %arg5[%get3A_367, %get3A_368] {strides = array<i32>} : memref<200x128xi32, #tpu.memory_space<vmem>>, vector<16xi32>,
        %shift_right_logical3A_370 = arith.constant 1 : i32
        %shift_right_logical3A_371 = vector.broadcast %shift_right_logical3A_370 : i32 to vector<16xi32>
        %shift_right_logical3A_372 = arith.shrui %get3A_369, %shift_right_logical3A_371 : vector<16xi32>
        %swap3A_373 = arith.constant 0 : i32
        %swap3A_374 = arith.index_cast %swap3A_373 : i32 to index
        %swap3A_375 = arith.constant 48 : index
        %swap3A_376 = tpu.vector_load %arg6[%swap3A_374, %swap3A_375] {strides = array<i32>} : memref<2x128xi32, #tpu.memory_space<vmem>>, vector<16xi32>,
        tpu.vector_store %arg6[%swap3A_374, %swap3A_375], %shift_right_logical3A_372 {strides = array<i32>} : memref<2x128xi32, #tpu.memory_space<vmem>>, vector<16xi32>,
        %and3A_377 = arith.constant 1 : i32
        %and3A_378 = vector.broadcast %and3A_377 : i32 to vector<16xi32>
        %and3A_379 = arith.andi %get3A_369, %and3A_378 : vector<16xi32>
        %mul3A_380 = arith.constant 64 : i32
        %mul3A_381 = vector.broadcast %mul3A_380 : i32 to vector<16xi32>
        %mul3A_382 = arith.muli %and3A_379, %mul3A_381 : vector<16xi32>
        %swap3A_383 = arith.constant 0 : i32
        %swap3A_384 = arith.index_cast %swap3A_383 : i32 to index
        %swap3A_385 = arith.constant 48 : index
        %swap3A_386 = tpu.vector_load %arg7[%swap3A_384, %swap3A_385] {strides = array<i32>} : memref<2x128xi32, #tpu.memory_space<vmem>>, vector<16xi32>,
        tpu.vector_store %arg7[%swap3A_384, %swap3A_385], %mul3A_382 {strides = array<i32>} : memref<2x128xi32, #tpu.memory_space<vmem>>, vector<16xi32>,
        %get3A_387 = arith.index_cast %add3A_306 : i32 to index
        %get3A_388 = arith.constant 64 : index
        %get3A_389 = tpu.vector_load %arg5[%get3A_387, %get3A_388] {strides = array<i32>} : memref<200x128xi32, #tpu.memory_space<vmem>>, vector<16xi32>,
        %shift_right_logical3A_390 = arith.constant 1 : i32
        %shift_right_logical3A_391 = vector.broadcast %shift_right_logical3A_390 : i32 to vector<16xi32>
        %shift_right_logical3A_392 = arith.shrui %get3A_389, %shift_right_logical3A_391 : vector<16xi32>
        %swap3A_393 = arith.constant 0 : i32
        %swap3A_394 = arith.index_cast %swap3A_393 : i32 to index
        %swap3A_395 = arith.constant 64 : index
        %swap3A_396 = tpu.vector_load %arg6[%swap3A_394, %swap3A_395] {strides = array<i32>} : memref<2x128xi32, #tpu.memory_space<vmem>>, vector<16xi32>,
        tpu.vector_store %arg6[%swap3A_394, %swap3A_395], %shift_right_logical3A_392 {strides = array<i32>} : memref<2x128xi32, #tpu.memory_space<vmem>>, vector<16xi32>,
        %and3A_397 = arith.constant 1 : i32
        %and3A_398 = vector.broadcast %and3A_397 : i32 to vector<16xi32>
        %and3A_399 = arith.andi %get3A_389, %and3A_398 : vector<16xi32>
        %mul3A_400 = arith.constant 64 : i32
        %mul3A_401 = vector.broadcast %mul3A_400 : i32 to vector<16xi32>
        %mul3A_402 = arith.muli %and3A_399, %mul3A_401 : vector<16xi32>
        %swap3A_403 = arith.constant 0 : i32
        %swap3A_404 = arith.index_cast %swap3A_403 : i32 to index
        %swap3A_405 = arith.constant 64 : index
        %swap3A_406 = tpu.vector_load %arg7[%swap3A_404, %swap3A_405] {strides = array<i32>} : memref<2x128xi32, #tpu.memory_space<vmem>>, vector<16xi32>,
        tpu.vector_store %arg7[%swap3A_404, %swap3A_405], %mul3A_402 {strides = array<i32>} : memref<2x128xi32, #tpu.memory_space<vmem>>, vector<16xi32>,
        %get3A_407 = arith.index_cast %add3A_306 : i32 to index
        %get3A_408 = arith.constant 80 : index
        %get3A_409 = tpu.vector_load %arg5[%get3A_407, %get3A_408] {strides = array<i32>} : memref<200x128xi32, #tpu.memory_space<vmem>>, vector<16xi32>,
        %shift_right_logical3A_410 = arith.constant 1 : i32
        %shift_right_logical3A_411 = vector.broadcast %shift_right_logical3A_410 : i32 to vector<16xi32>
        %shift_right_logical3A_412 = arith.shrui %get3A_409, %shift_right_logical3A_411 : vector<16xi32>
        %swap3A_413 = arith.constant 0 : i32
        %swap3A_414 = arith.index_cast %swap3A_413 : i32 to index
        %swap3A_415 = arith.constant 80 : index
        %swap3A_416 = tpu.vector_load %arg6[%swap3A_414, %swap3A_415] {strides = array<i32>} : memref<2x128xi32, #tpu.memory_space<vmem>>, vector<16xi32>,
        tpu.vector_store %arg6[%swap3A_414, %swap3A_415], %shift_right_logical3A_412 {strides = array<i32>} : memref<2x128xi32, #tpu.memory_space<vmem>>, vector<16xi32>,
        %and3A_417 = arith.constant 1 : i32
        %and3A_418 = vector.broadcast %and3A_417 : i32 to vector<16xi32>
        %and3A_419 = arith.andi %get3A_409, %and3A_418 : vector<16xi32>
        %mul3A_420 = arith.constant 64 : i32
        %mul3A_421 = vector.broadcast %mul3A_420 : i32 to vector<16xi32>
        %mul3A_422 = arith.muli %and3A_419, %mul3A_421 : vector<16xi32>
        %swap3A_423 = arith.constant 0 : i32
        %swap3A_424 = arith.index_cast %swap3A_423 : i32 to index
        %swap3A_425 = arith.constant 80 : index
        %swap3A_426 = tpu.vector_load %arg7[%swap3A_424, %swap3A_425] {strides = array<i32>} : memref<2x128xi32, #tpu.memory_space<vmem>>, vector<16xi32>,
        tpu.vector_store %arg7[%swap3A_424, %swap3A_425], %mul3A_422 {strides = array<i32>} : memref<2x128xi32, #tpu.memory_space<vmem>>, vector<16xi32>,
        %get3A_427 = arith.index_cast %add3A_306 : i32 to index
        %get3A_428 = arith.constant 96 : index
        %get3A_429 = tpu.vector_load %arg5[%get3A_427, %get3A_428] {strides = array<i32>} : memref<200x128xi32, #tpu.memory_space<vmem>>, vector<16xi32>,
        %shift_right_logical3A_430 = arith.constant 1 : i32
        %shift_right_logical3A_431 = vector.broadcast %shift_right_logical3A_430 : i32 to vector<16xi32>
        %shift_right_logical3A_432 = arith.shrui %get3A_429, %shift_right_logical3A_431 : vector<16xi32>
        %swap3A_433 = arith.constant 0 : i32
        %swap3A_434 = arith.index_cast %swap3A_433 : i32 to index
        %swap3A_435 = arith.constant 96 : index
        %swap3A_436 = tpu.vector_load %arg6[%swap3A_434, %swap3A_435] {strides = array<i32>} : memref<2x128xi32, #tpu.memory_space<vmem>>, vector<16xi32>,
        tpu.vector_store %arg6[%swap3A_434, %swap3A_435], %shift_right_logical3A_432 {strides = array<i32>} : memref<2x128xi32, #tpu.memory_space<vmem>>, vector<16xi32>,
        %and3A_437 = arith.constant 1 : i32
        %and3A_438 = vector.broadcast %and3A_437 : i32 to vector<16xi32>
        %and3A_439 = arith.andi %get3A_429, %and3A_438 : vector<16xi32>
        %mul3A_440 = arith.constant 64 : i32
        %mul3A_441 = vector.broadcast %mul3A_440 : i32 to vector<16xi32>
        %mul3A_442 = arith.muli %and3A_439, %mul3A_441 : vector<16xi32>
        %swap3A_443 = arith.constant 0 : i32
        %swap3A_444 = arith.index_cast %swap3A_443 : i32 to index
        %swap3A_445 = arith.constant 96 : index
        %swap3A_446 = tpu.vector_load %arg7[%swap3A_444, %swap3A_445] {strides = array<i32>} : memref<2x128xi32, #tpu.memory_space<vmem>>, vector<16xi32>,
        tpu.vector_store %arg7[%swap3A_444, %swap3A_445], %mul3A_442 {strides = array<i32>} : memref<2x128xi32, #tpu.memory_space<vmem>>, vector<16xi32>,
        %get3A_447 = arith.index_cast %add3A_306 : i32 to index
        %get3A_448 = arith.constant 112 : index
        %get3A_449 = tpu.vector_load %arg5[%get3A_447, %get3A_448] {strides = array<i32>} : memref<200x128xi32, #tpu.memory_space<vmem>>, vector<16xi32>,
        %shift_right_logical3A_450 = arith.constant 1 : i32
        %shift_right_logical3A_451 = vector.broadcast %shift_right_logical3A_450 : i32 to vector<16xi32>
        %shift_right_logical3A_452 = arith.shrui %get3A_449, %shift_right_logical3A_451 : vector<16xi32>
        %swap3A_453 = arith.constant 0 : i32
        %swap3A_454 = arith.index_cast %swap3A_453 : i32 to index
        %swap3A_455 = arith.constant 112 : index
        %swap3A_456 = tpu.vector_load %arg6[%swap3A_454, %swap3A_455] {strides = array<i32>} : memref<2x128xi32, #tpu.memory_space<vmem>>, vector<16xi32>,
        tpu.vector_store %arg6[%swap3A_454, %swap3A_455], %shift_right_logical3A_452 {strides = array<i32>} : memref<2x128xi32, #tpu.memory_space<vmem>>, vector<16xi32>,
        %and3A_457 = arith.constant 1 : i32
        %and3A_458 = vector.broadcast %and3A_457 : i32 to vector<16xi32>
        %and3A_459 = arith.andi %get3A_449, %and3A_458 : vector<16xi32>
        %mul3A_460 = arith.constant 64 : i32
        %mul3A_461 = vector.broadcast %mul3A_460 : i32 to vector<16xi32>
        %mul3A_462 = arith.muli %and3A_459, %mul3A_461 : vector<16xi32>
        %swap3A_463 = arith.constant 0 : i32
        %swap3A_464 = arith.index_cast %swap3A_463 : i32 to index
        %swap3A_465 = arith.constant 112 : index
        %swap3A_466 = tpu.vector_load %arg7[%swap3A_464, %swap3A_465] {strides = array<i32>} : memref<2x128xi32, #tpu.memory_space<vmem>>, vector<16xi32>,
        tpu.vector_store %arg7[%swap3A_464, %swap3A_465], %mul3A_462 {strides = array<i32>} : memref<2x128xi32, #tpu.memory_space<vmem>>, vector<16xi32>,
        %dma_start3A_467 = arith.constant 0 : i32
        %dma_start3A_468 = arith.constant 0 : i32
        %dma_start3A_469 = arith.constant 0 : i32
        %dma_start3A_470 = arith.constant 0 : i32
        %dma_start3A_471 = tpu.memref_slice %arg8[%dma_start3A_468, %dma_start3A_469, %dma_start3A_470] : memref<2x128x128xf32, #tpu.memory_space<vmem>> -> memref<1x128x128xf32, #tpu.memory_space<vmem>>
        %dma_start3A_472 = tpu.memref_squeeze %dma_start3A_471 : memref<1x128x128xf32, #tpu.memory_space<vmem>> -> memref<128x128xf32, #tpu.memory_space<vmem>>
        %dma_start3A_473 = arith.constant 0 : i32
        %dma_start3A_474 = tpu.memref_slice %arg6[%dma_start3A_467, %dma_start3A_473] : memref<2x128xi32, #tpu.memory_space<vmem>> -> memref<1x128xi32, #tpu.memory_space<vmem>>
        %dma_start3A_475 = tpu.memref_squeeze %dma_start3A_474 : memref<1x128xi32, #tpu.memory_space<vmem>> -> memref<128xi32, #tpu.memory_space<vmem>>
        %dma_start3A_476 = arith.constant 0 : i32
        %dma_start3A_477 = arith.constant 0 : i32
        %dma_start3A_478 = tpu.memref_slice %arg3[%dma_start3A_476, %dma_start3A_477] : memref<500000x128xf32, #tpu.memory_space<hbm>> -> memref<500000x128xf32, #tpu.memory_space<hbm>>
        tpu.enqueue_indirect_dma source(%dma_start3A_478 : memref<500000x128xf32, #tpu.memory_space<hbm>>) target(%dma_start3A_472 : memref<128x128xf32, #tpu.memory_space<vmem>>) offsets(%dma_start3A_475 : memref<128xi32, #tpu.memory_space<vmem>>) semaphore(%arg10 : memref<!tpu.dma_semaphore, #tpu.memory_space<semaphore_mem>>)
      } else {
      }
      %dma_wait3A_267 = arith.constant 1 : i32
      %dma_wait3A_268 = arith.constant 1 : i32
      %dma_wait3A_269 = arith.constant 0 : i32
      %dma_wait3A_270 = arith.constant 0 : i32
      %dma_wait3A_271 = tpu.memref_slice %arg8[%dma_wait3A_268, %dma_wait3A_269, %dma_wait3A_270] : memref<2x128x128xf32, #tpu.memory_space<vmem>> -> memref<1x128x128xf32, #tpu.memory_space<vmem>>
      %dma_wait3A_272 = tpu.memref_squeeze %dma_wait3A_271 : memref<1x128x128xf32, #tpu.memory_space<vmem>> -> memref<128x128xf32, #tpu.memory_space<vmem>>
      %dma_wait3A_273 = arith.constant 0 : i32
      %dma_wait3A_274 = tpu.memref_slice %arg6[%dma_wait3A_267, %dma_wait3A_273] : memref<2x128xi32, #tpu.memory_space<vmem>> -> memref<1x128xi32, #tpu.memory_space<vmem>>
      %dma_wait3A_275 = tpu.memref_squeeze %dma_wait3A_274 : memref<1x128xi32, #tpu.memory_space<vmem>> -> memref<128xi32, #tpu.memory_space<vmem>>
      %dma_wait3A_276 = arith.constant 0 : i32
      %dma_wait3A_277 = arith.constant 0 : i32
      %dma_wait3A_278 = tpu.memref_slice %arg3[%dma_wait3A_276, %dma_wait3A_277] : memref<500000x128xf32, #tpu.memory_space<hbm>> -> memref<500000x128xf32, #tpu.memory_space<hbm>>
      tpu.wait_indirect_dma semaphore(%arg11 : memref<!tpu.dma_semaphore, #tpu.memory_space<semaphore_mem>>) src(%dma_wait3A_278 : memref<500000x128xf32, #tpu.memory_space<hbm>>) dst(%dma_wait3A_272 : memref<128x128xf32, #tpu.memory_space<vmem>>)
      %ge3A_279 = arith.constant 2 : i32
      %ge3A_280 = arith.cmpi sge, %add3A_261, %ge3A_279 : i32
      %convert_element_type3A_281 = arith.extui %ge3A_280 : i1 to i32
      %cond3A_282 = arith.constant 0 : i32
      %cond3A_283 = arith.cmpi ne, %convert_element_type3A_281, %cond3A_282 : i32
      scf.if %cond3A_283 {
        %sub3A = arith.constant 2 : i32
        %sub3A_305 = arith.subi %add3A_261, %sub3A : i32
        %dma_wait3A_306 = arith.constant 1 : i32
        %dma_wait3A_307 = arith.constant 0 : i32
        %dma_wait3A_308 = arith.constant 0 : i32
        %dma_wait3A_309 = tpu.memref_slice %arg9[%dma_wait3A_306, %dma_wait3A_307, %dma_wait3A_308] : memref<2x64x128xf32, #tpu.memory_space<vmem>> -> memref<1x64x128xf32, #tpu.memory_space<vmem>>
        %dma_wait3A_310 = tpu.memref_squeeze %dma_wait3A_309 : memref<1x64x128xf32, #tpu.memory_space<vmem>> -> memref<64x128xf32, #tpu.memory_space<vmem>>
        %dma_wait3A_311 = arith.constant 0 : i32
        %dma_wait3A_312 = tpu.memref_slice %arg4[%sub3A_305, %dma_wait3A_311, %mul3A_2] : memref<200x64x4096xf32, #tpu.memory_space<hbm>> -> memref<1x64x128xf32, #tpu.memory_space<hbm>>
        %dma_wait3A_313 = tpu.memref_squeeze %dma_wait3A_312 : memref<1x64x128xf32, #tpu.memory_space<hbm>> -> memref<64x128xf32, #tpu.memory_space<hbm>>
        %dma_wait3A_314 = arith.constant 0 : i32
        %dma_wait3A_315 = tpu.memref_slice %arg4[%sub3A_305, %dma_wait3A_314, %mul3A_2] : memref<200x64x4096xf32, #tpu.memory_space<hbm>> -> memref<1x64x128xf32, #tpu.memory_space<hbm>>
        %dma_wait3A_316 = tpu.memref_squeeze %dma_wait3A_315 : memref<1x64x128xf32, #tpu.memory_space<hbm>> -> memref<64x128xf32, #tpu.memory_space<hbm>>
        %dma_wait3A_317 = arith.constant 0 : i32
        %dma_wait3A_318 = arith.constant 0 : i32
        %dma_wait3A_319 = tpu.memref_slice %arg9[%dma_wait3A_306, %dma_wait3A_317, %dma_wait3A_318] : memref<2x64x128xf32, #tpu.memory_space<vmem>> -> memref<1x64x128xf32, #tpu.memory_space<vmem>>
        %dma_wait3A_320 = tpu.memref_squeeze %dma_wait3A_319 : memref<1x64x128xf32, #tpu.memory_space<vmem>> -> memref<64x128xf32, #tpu.memory_space<vmem>>
        tpu.wait_dma2 semaphore(%arg13 : memref<!tpu.dma_semaphore, #tpu.memory_space<semaphore_mem>>) src(%dma_wait3A_320 : memref<64x128xf32, #tpu.memory_space<vmem>>) dst(%dma_wait3A_316 : memref<64x128xf32, #tpu.memory_space<hbm>>)
      } else {
      }
      %scan3A_284 = arith.constant 0 : i32
      %scan3A_285 = arith.constant 0 : i32
      %scan3A_286 = arith.constant 16 : i32
      %scan3A_287 = arith.addi %scan3A_285, %scan3A_286 : i32
      %scan3A_288 = arith.constant 1 : i32
      scf.for %scan3A_305 = %scan3A_285 to %scan3A_287 step %scan3A_288  : i32 {
        %mul3A_306 = arith.constant 4 : i32
        %mul3A_307 = arith.muli %scan3A_305, %mul3A_306 : i32
        %iota3A = tpu.iota {dimensions = array<i32: 0>} : vector<16xi32>
        %add3A_308 = arith.constant 0 : i32
        %add3A_309 = vector.broadcast %add3A_308 : i32 to vector<16xi32>
        %add3A_310 = arith.addi %iota3A, %add3A_309 : vector<16xi32>
        %get3A_311 = arith.constant 1 : i32
        %get3A_312 = arith.index_cast %get3A_311 : i32 to index
        %get3A_313 = arith.constant 0 : index
        %get3A_314 = tpu.vector_load %arg7[%get3A_312, %get3A_313] {strides = array<i32>} : memref<2x128xi32, #tpu.memory_space<vmem>>, vector<16xi32>,
        %add3A_315 = arith.constant 0 : i32
        %add3A_316 = arith.addi %mul3A_307, %add3A_315 : i32
        %add3A_317 = vector.broadcast %add3A_316 : i32 to vector<16xi32>
        %add3A_318 = arith.addi %get3A_314, %add3A_317 : vector<16xi32>
        %gather3A = arith.constant 1 : i32
        %gather3A_319 = arith.constant 0 : i32
        %gather3A_320 = arith.constant 0 : i32
        %gather3A_321 = tpu.memref_slice %arg8[%gather3A, %gather3A_319, %gather3A_320] : memref<2x128x128xf32, #tpu.memory_space<vmem>> -> memref<1x128x128xf32, #tpu.memory_space<vmem>>
        %gather3A_322 = tpu.memref_squeeze %gather3A_321 : memref<1x128x128xf32, #tpu.memory_space<vmem>> -> memref<128x128xf32, #tpu.memory_space<vmem>>
        %gather3A_323 = tpu.vector_load_idx %gather3A_322[%add3A_310, %add3A_318] : memref<128x128xf32, #tpu.memory_space<vmem>>[vector<16xi32>, vector<16xi32>], vector<16xf32>,
        %add3A_324 = arith.constant 1 : i32
        %add3A_325 = arith.addi %mul3A_307, %add3A_324 : i32
        %add3A_326 = vector.broadcast %add3A_325 : i32 to vector<16xi32>
        %add3A_327 = arith.addi %get3A_314, %add3A_326 : vector<16xi32>
        %gather3A_328 = arith.constant 1 : i32
        %gather3A_329 = arith.constant 0 : i32
        %gather3A_330 = arith.constant 0 : i32
        %gather3A_331 = tpu.memref_slice %arg8[%gather3A_328, %gather3A_329, %gather3A_330] : memref<2x128x128xf32, #tpu.memory_space<vmem>> -> memref<1x128x128xf32, #tpu.memory_space<vmem>>
        %gather3A_332 = tpu.memref_squeeze %gather3A_331 : memref<1x128x128xf32, #tpu.memory_space<vmem>> -> memref<128x128xf32, #tpu.memory_space<vmem>>
        %gather3A_333 = tpu.vector_load_idx %gather3A_332[%add3A_310, %add3A_327] : memref<128x128xf32, #tpu.memory_space<vmem>>[vector<16xi32>, vector<16xi32>], vector<16xf32>,
        %add3A_334 = arith.constant 2 : i32
        %add3A_335 = arith.addi %mul3A_307, %add3A_334 : i32
        %add3A_336 = vector.broadcast %add3A_335 : i32 to vector<16xi32>
        %add3A_337 = arith.addi %get3A_314, %add3A_336 : vector<16xi32>
        %gather3A_338 = arith.constant 1 : i32
        %gather3A_339 = arith.constant 0 : i32
        %gather3A_340 = arith.constant 0 : i32
        %gather3A_341 = tpu.memref_slice %arg8[%gather3A_338, %gather3A_339, %gather3A_340] : memref<2x128x128xf32, #tpu.memory_space<vmem>> -> memref<1x128x128xf32, #tpu.memory_space<vmem>>
        %gather3A_342 = tpu.memref_squeeze %gather3A_341 : memref<1x128x128xf32, #tpu.memory_space<vmem>> -> memref<128x128xf32, #tpu.memory_space<vmem>>
        %gather3A_343 = tpu.vector_load_idx %gather3A_342[%add3A_310, %add3A_337] : memref<128x128xf32, #tpu.memory_space<vmem>>[vector<16xi32>, vector<16xi32>], vector<16xf32>,
        %add3A_344 = arith.constant 3 : i32
        %add3A_345 = arith.addi %mul3A_307, %add3A_344 : i32
        %add3A_346 = vector.broadcast %add3A_345 : i32 to vector<16xi32>
        %add3A_347 = arith.addi %get3A_314, %add3A_346 : vector<16xi32>
        %gather3A_348 = arith.constant 1 : i32
        %gather3A_349 = arith.constant 0 : i32
        %gather3A_350 = arith.constant 0 : i32
        %gather3A_351 = tpu.memref_slice %arg8[%gather3A_348, %gather3A_349, %gather3A_350] : memref<2x128x128xf32, #tpu.memory_space<vmem>> -> memref<1x128x128xf32, #tpu.memory_space<vmem>>
        %gather3A_352 = tpu.memref_squeeze %gather3A_351 : memref<1x128x128xf32, #tpu.memory_space<vmem>> -> memref<128x128xf32, #tpu.memory_space<vmem>>
        %gather3A_353 = tpu.vector_load_idx %gather3A_352[%add3A_310, %add3A_347] : memref<128x128xf32, #tpu.memory_space<vmem>>[vector<16xi32>, vector<16xi32>], vector<16xf32>,
        %iota3A_354 = tpu.iota {dimensions = array<i32: 0>} : vector<16xi32>
        %add3A_355 = arith.constant 16 : i32
        %add3A_356 = vector.broadcast %add3A_355 : i32 to vector<16xi32>
        %add3A_357 = arith.addi %iota3A_354, %add3A_356 : vector<16xi32>
        %get3A_358 = arith.constant 1 : i32
        %get3A_359 = arith.index_cast %get3A_358 : i32 to index
        %get3A_360 = arith.constant 16 : index
        %get3A_361 = tpu.vector_load %arg7[%get3A_359, %get3A_360] {strides = array<i32>} : memref<2x128xi32, #tpu.memory_space<vmem>>, vector<16xi32>,
        %add3A_362 = arith.constant 0 : i32
        %add3A_363 = arith.addi %mul3A_307, %add3A_362 : i32
        %add3A_364 = vector.broadcast %add3A_363 : i32 to vector<16xi32>
        %add3A_365 = arith.addi %get3A_361, %add3A_364 : vector<16xi32>
        %gather3A_366 = arith.constant 1 : i32
        %gather3A_367 = arith.constant 0 : i32
        %gather3A_368 = arith.constant 0 : i32
        %gather3A_369 = tpu.memref_slice %arg8[%gather3A_366, %gather3A_367, %gather3A_368] : memref<2x128x128xf32, #tpu.memory_space<vmem>> -> memref<1x128x128xf32, #tpu.memory_space<vmem>>
        %gather3A_370 = tpu.memref_squeeze %gather3A_369 : memref<1x128x128xf32, #tpu.memory_space<vmem>> -> memref<128x128xf32, #tpu.memory_space<vmem>>
        %gather3A_371 = tpu.vector_load_idx %gather3A_370[%add3A_357, %add3A_365] : memref<128x128xf32, #tpu.memory_space<vmem>>[vector<16xi32>, vector<16xi32>], vector<16xf32>,
        %add3A_372 = arith.constant 1 : i32
        %add3A_373 = arith.addi %mul3A_307, %add3A_372 : i32
        %add3A_374 = vector.broadcast %add3A_373 : i32 to vector<16xi32>
        %add3A_375 = arith.addi %get3A_361, %add3A_374 : vector<16xi32>
        %gather3A_376 = arith.constant 1 : i32
        %gather3A_377 = arith.constant 0 : i32
        %gather3A_378 = arith.constant 0 : i32
        %gather3A_379 = tpu.memref_slice %arg8[%gather3A_376, %gather3A_377, %gather3A_378] : memref<2x128x128xf32, #tpu.memory_space<vmem>> -> memref<1x128x128xf32, #tpu.memory_space<vmem>>
        %gather3A_380 = tpu.memref_squeeze %gather3A_379 : memref<1x128x128xf32, #tpu.memory_space<vmem>> -> memref<128x128xf32, #tpu.memory_space<vmem>>
        %gather3A_381 = tpu.vector_load_idx %gather3A_380[%add3A_357, %add3A_375] : memref<128x128xf32, #tpu.memory_space<vmem>>[vector<16xi32>, vector<16xi32>], vector<16xf32>,
        %add3A_382 = arith.constant 2 : i32
        %add3A_383 = arith.addi %mul3A_307, %add3A_382 : i32
        %add3A_384 = vector.broadcast %add3A_383 : i32 to vector<16xi32>
        %add3A_385 = arith.addi %get3A_361, %add3A_384 : vector<16xi32>
        %gather3A_386 = arith.constant 1 : i32
        %gather3A_387 = arith.constant 0 : i32
        %gather3A_388 = arith.constant 0 : i32
        %gather3A_389 = tpu.memref_slice %arg8[%gather3A_386, %gather3A_387, %gather3A_388] : memref<2x128x128xf32, #tpu.memory_space<vmem>> -> memref<1x128x128xf32, #tpu.memory_space<vmem>>
        %gather3A_390 = tpu.memref_squeeze %gather3A_389 : memref<1x128x128xf32, #tpu.memory_space<vmem>> -> memref<128x128xf32, #tpu.memory_space<vmem>>
        %gather3A_391 = tpu.vector_load_idx %gather3A_390[%add3A_357, %add3A_385] : memref<128x128xf32, #tpu.memory_space<vmem>>[vector<16xi32>, vector<16xi32>], vector<16xf32>,
        %add3A_392 = arith.constant 3 : i32
        %add3A_393 = arith.addi %mul3A_307, %add3A_392 : i32
        %add3A_394 = vector.broadcast %add3A_393 : i32 to vector<16xi32>
        %add3A_395 = arith.addi %get3A_361, %add3A_394 : vector<16xi32>
        %gather3A_396 = arith.constant 1 : i32
        %gather3A_397 = arith.constant 0 : i32
        %gather3A_398 = arith.constant 0 : i32
        %gather3A_399 = tpu.memref_slice %arg8[%gather3A_396, %gather3A_397, %gather3A_398] : memref<2x128x128xf32, #tpu.memory_space<vmem>> -> memref<1x128x128xf32, #tpu.memory_space<vmem>>
        %gather3A_400 = tpu.memref_squeeze %gather3A_399 : memref<1x128x128xf32, #tpu.memory_space<vmem>> -> memref<128x128xf32, #tpu.memory_space<vmem>>
        %gather3A_401 = tpu.vector_load_idx %gather3A_400[%add3A_357, %add3A_395] : memref<128x128xf32, #tpu.memory_space<vmem>>[vector<16xi32>, vector<16xi32>], vector<16xf32>,
        %iota3A_402 = tpu.iota {dimensions = array<i32: 0>} : vector<16xi32>
        %add3A_403 = arith.constant 32 : i32
        %add3A_404 = vector.broadcast %add3A_403 : i32 to vector<16xi32>
        %add3A_405 = arith.addi %iota3A_402, %add3A_404 : vector<16xi32>
        %get3A_406 = arith.constant 1 : i32
        %get3A_407 = arith.index_cast %get3A_406 : i32 to index
        %get3A_408 = arith.constant 32 : index
        %get3A_409 = tpu.vector_load %arg7[%get3A_407, %get3A_408] {strides = array<i32>} : memref<2x128xi32, #tpu.memory_space<vmem>>, vector<16xi32>,
        %add3A_410 = arith.constant 0 : i32
        %add3A_411 = arith.addi %mul3A_307, %add3A_410 : i32
        %add3A_412 = vector.broadcast %add3A_411 : i32 to vector<16xi32>
        %add3A_413 = arith.addi %get3A_409, %add3A_412 : vector<16xi32>
        %gather3A_414 = arith.constant 1 : i32
        %gather3A_415 = arith.constant 0 : i32
        %gather3A_416 = arith.constant 0 : i32
        %gather3A_417 = tpu.memref_slice %arg8[%gather3A_414, %gather3A_415, %gather3A_416] : memref<2x128x128xf32, #tpu.memory_space<vmem>> -> memref<1x128x128xf32, #tpu.memory_space<vmem>>
        %gather3A_418 = tpu.memref_squeeze %gather3A_417 : memref<1x128x128xf32, #tpu.memory_space<vmem>> -> memref<128x128xf32, #tpu.memory_space<vmem>>
        %gather3A_419 = tpu.vector_load_idx %gather3A_418[%add3A_405, %add3A_413] : memref<128x128xf32, #tpu.memory_space<vmem>>[vector<16xi32>, vector<16xi32>], vector<16xf32>,
        %add3A_420 = arith.constant 1 : i32
        %add3A_421 = arith.addi %mul3A_307, %add3A_420 : i32
        %add3A_422 = vector.broadcast %add3A_421 : i32 to vector<16xi32>
        %add3A_423 = arith.addi %get3A_409, %add3A_422 : vector<16xi32>
        %gather3A_424 = arith.constant 1 : i32
        %gather3A_425 = arith.constant 0 : i32
        %gather3A_426 = arith.constant 0 : i32
        %gather3A_427 = tpu.memref_slice %arg8[%gather3A_424, %gather3A_425, %gather3A_426] : memref<2x128x128xf32, #tpu.memory_space<vmem>> -> memref<1x128x128xf32, #tpu.memory_space<vmem>>
        %gather3A_428 = tpu.memref_squeeze %gather3A_427 : memref<1x128x128xf32, #tpu.memory_space<vmem>> -> memref<128x128xf32, #tpu.memory_space<vmem>>
        %gather3A_429 = tpu.vector_load_idx %gather3A_428[%add3A_405, %add3A_423] : memref<128x128xf32, #tpu.memory_space<vmem>>[vector<16xi32>, vector<16xi32>], vector<16xf32>,
        %add3A_430 = arith.constant 2 : i32
        %add3A_431 = arith.addi %mul3A_307, %add3A_430 : i32
        %add3A_432 = vector.broadcast %add3A_431 : i32 to vector<16xi32>
        %add3A_433 = arith.addi %get3A_409, %add3A_432 : vector<16xi32>
        %gather3A_434 = arith.constant 1 : i32
        %gather3A_435 = arith.constant 0 : i32
        %gather3A_436 = arith.constant 0 : i32
        %gather3A_437 = tpu.memref_slice %arg8[%gather3A_434, %gather3A_435, %gather3A_436] : memref<2x128x128xf32, #tpu.memory_space<vmem>> -> memref<1x128x128xf32, #tpu.memory_space<vmem>>
        %gather3A_438 = tpu.memref_squeeze %gather3A_437 : memref<1x128x128xf32, #tpu.memory_space<vmem>> -> memref<128x128xf32, #tpu.memory_space<vmem>>
        %gather3A_439 = tpu.vector_load_idx %gather3A_438[%add3A_405, %add3A_433] : memref<128x128xf32, #tpu.memory_space<vmem>>[vector<16xi32>, vector<16xi32>], vector<16xf32>,
        %add3A_440 = arith.constant 3 : i32
        %add3A_441 = arith.addi %mul3A_307, %add3A_440 : i32
        %add3A_442 = vector.broadcast %add3A_441 : i32 to vector<16xi32>
        %add3A_443 = arith.addi %get3A_409, %add3A_442 : vector<16xi32>
        %gather3A_444 = arith.constant 1 : i32
        %gather3A_445 = arith.constant 0 : i32
        %gather3A_446 = arith.constant 0 : i32
        %gather3A_447 = tpu.memref_slice %arg8[%gather3A_444, %gather3A_445, %gather3A_446] : memref<2x128x128xf32, #tpu.memory_space<vmem>> -> memref<1x128x128xf32, #tpu.memory_space<vmem>>
        %gather3A_448 = tpu.memref_squeeze %gather3A_447 : memref<1x128x128xf32, #tpu.memory_space<vmem>> -> memref<128x128xf32, #tpu.memory_space<vmem>>
        %gather3A_449 = tpu.vector_load_idx %gather3A_448[%add3A_405, %add3A_443] : memref<128x128xf32, #tpu.memory_space<vmem>>[vector<16xi32>, vector<16xi32>], vector<16xf32>,
        %iota3A_450 = tpu.iota {dimensions = array<i32: 0>} : vector<16xi32>
        %add3A_451 = arith.constant 48 : i32
        %add3A_452 = vector.broadcast %add3A_451 : i32 to vector<16xi32>
        %add3A_453 = arith.addi %iota3A_450, %add3A_452 : vector<16xi32>
        %get3A_454 = arith.constant 1 : i32
        %get3A_455 = arith.index_cast %get3A_454 : i32 to index
        %get3A_456 = arith.constant 48 : index
        %get3A_457 = tpu.vector_load %arg7[%get3A_455, %get3A_456] {strides = array<i32>} : memref<2x128xi32, #tpu.memory_space<vmem>>, vector<16xi32>,
        %add3A_458 = arith.constant 0 : i32
        %add3A_459 = arith.addi %mul3A_307, %add3A_458 : i32
        %add3A_460 = vector.broadcast %add3A_459 : i32 to vector<16xi32>
        %add3A_461 = arith.addi %get3A_457, %add3A_460 : vector<16xi32>
        %gather3A_462 = arith.constant 1 : i32
        %gather3A_463 = arith.constant 0 : i32
        %gather3A_464 = arith.constant 0 : i32
        %gather3A_465 = tpu.memref_slice %arg8[%gather3A_462, %gather3A_463, %gather3A_464] : memref<2x128x128xf32, #tpu.memory_space<vmem>> -> memref<1x128x128xf32, #tpu.memory_space<vmem>>
        %gather3A_466 = tpu.memref_squeeze %gather3A_465 : memref<1x128x128xf32, #tpu.memory_space<vmem>> -> memref<128x128xf32, #tpu.memory_space<vmem>>
        %gather3A_467 = tpu.vector_load_idx %gather3A_466[%add3A_453, %add3A_461] : memref<128x128xf32, #tpu.memory_space<vmem>>[vector<16xi32>, vector<16xi32>], vector<16xf32>,
        %add3A_468 = arith.constant 1 : i32
        %add3A_469 = arith.addi %mul3A_307, %add3A_468 : i32
        %add3A_470 = vector.broadcast %add3A_469 : i32 to vector<16xi32>
        %add3A_471 = arith.addi %get3A_457, %add3A_470 : vector<16xi32>
        %gather3A_472 = arith.constant 1 : i32
        %gather3A_473 = arith.constant 0 : i32
        %gather3A_474 = arith.constant 0 : i32
        %gather3A_475 = tpu.memref_slice %arg8[%gather3A_472, %gather3A_473, %gather3A_474] : memref<2x128x128xf32, #tpu.memory_space<vmem>> -> memref<1x128x128xf32, #tpu.memory_space<vmem>>
        %gather3A_476 = tpu.memref_squeeze %gather3A_475 : memref<1x128x128xf32, #tpu.memory_space<vmem>> -> memref<128x128xf32, #tpu.memory_space<vmem>>
        %gather3A_477 = tpu.vector_load_idx %gather3A_476[%add3A_453, %add3A_471] : memref<128x128xf32, #tpu.memory_space<vmem>>[vector<16xi32>, vector<16xi32>], vector<16xf32>,
        %add3A_478 = arith.constant 2 : i32
        %add3A_479 = arith.addi %mul3A_307, %add3A_478 : i32
        %add3A_480 = vector.broadcast %add3A_479 : i32 to vector<16xi32>
        %add3A_481 = arith.addi %get3A_457, %add3A_480 : vector<16xi32>
        %gather3A_482 = arith.constant 1 : i32
        %gather3A_483 = arith.constant 0 : i32
        %gather3A_484 = arith.constant 0 : i32
        %gather3A_485 = tpu.memref_slice %arg8[%gather3A_482, %gather3A_483, %gather3A_484] : memref<2x128x128xf32, #tpu.memory_space<vmem>> -> memref<1x128x128xf32, #tpu.memory_space<vmem>>
        %gather3A_486 = tpu.memref_squeeze %gather3A_485 : memref<1x128x128xf32, #tpu.memory_space<vmem>> -> memref<128x128xf32, #tpu.memory_space<vmem>>
        %gather3A_487 = tpu.vector_load_idx %gather3A_486[%add3A_453, %add3A_481] : memref<128x128xf32, #tpu.memory_space<vmem>>[vector<16xi32>, vector<16xi32>], vector<16xf32>,
        %add3A_488 = arith.constant 3 : i32
        %add3A_489 = arith.addi %mul3A_307, %add3A_488 : i32
        %add3A_490 = vector.broadcast %add3A_489 : i32 to vector<16xi32>
        %add3A_491 = arith.addi %get3A_457, %add3A_490 : vector<16xi32>
        %gather3A_492 = arith.constant 1 : i32
        %gather3A_493 = arith.constant 0 : i32
        %gather3A_494 = arith.constant 0 : i32
        %gather3A_495 = tpu.memref_slice %arg8[%gather3A_492, %gather3A_493, %gather3A_494] : memref<2x128x128xf32, #tpu.memory_space<vmem>> -> memref<1x128x128xf32, #tpu.memory_space<vmem>>
        %gather3A_496 = tpu.memref_squeeze %gather3A_495 : memref<1x128x128xf32, #tpu.memory_space<vmem>> -> memref<128x128xf32, #tpu.memory_space<vmem>>
        %gather3A_497 = tpu.vector_load_idx %gather3A_496[%add3A_453, %add3A_491] : memref<128x128xf32, #tpu.memory_space<vmem>>[vector<16xi32>, vector<16xi32>], vector<16xf32>,
        %iota3A_498 = tpu.iota {dimensions = array<i32: 0>} : vector<16xi32>
        %add3A_499 = arith.constant 64 : i32
        %add3A_500 = vector.broadcast %add3A_499 : i32 to vector<16xi32>
        %add3A_501 = arith.addi %iota3A_498, %add3A_500 : vector<16xi32>
        %get3A_502 = arith.constant 1 : i32
        %get3A_503 = arith.index_cast %get3A_502 : i32 to index
        %get3A_504 = arith.constant 64 : index
        %get3A_505 = tpu.vector_load %arg7[%get3A_503, %get3A_504] {strides = array<i32>} : memref<2x128xi32, #tpu.memory_space<vmem>>, vector<16xi32>,
        %add3A_506 = arith.constant 0 : i32
        %add3A_507 = arith.addi %mul3A_307, %add3A_506 : i32
        %add3A_508 = vector.broadcast %add3A_507 : i32 to vector<16xi32>
        %add3A_509 = arith.addi %get3A_505, %add3A_508 : vector<16xi32>
        %gather3A_510 = arith.constant 1 : i32
        %gather3A_511 = arith.constant 0 : i32
        %gather3A_512 = arith.constant 0 : i32
        %gather3A_513 = tpu.memref_slice %arg8[%gather3A_510, %gather3A_511, %gather3A_512] : memref<2x128x128xf32, #tpu.memory_space<vmem>> -> memref<1x128x128xf32, #tpu.memory_space<vmem>>
        %gather3A_514 = tpu.memref_squeeze %gather3A_513 : memref<1x128x128xf32, #tpu.memory_space<vmem>> -> memref<128x128xf32, #tpu.memory_space<vmem>>
        %gather3A_515 = tpu.vector_load_idx %gather3A_514[%add3A_501, %add3A_509] : memref<128x128xf32, #tpu.memory_space<vmem>>[vector<16xi32>, vector<16xi32>], vector<16xf32>,
        %add3A_516 = arith.constant 1 : i32
        %add3A_517 = arith.addi %mul3A_307, %add3A_516 : i32
        %add3A_518 = vector.broadcast %add3A_517 : i32 to vector<16xi32>
        %add3A_519 = arith.addi %get3A_505, %add3A_518 : vector<16xi32>
        %gather3A_520 = arith.constant 1 : i32
        %gather3A_521 = arith.constant 0 : i32
        %gather3A_522 = arith.constant 0 : i32
        %gather3A_523 = tpu.memref_slice %arg8[%gather3A_520, %gather3A_521, %gather3A_522] : memref<2x128x128xf32, #tpu.memory_space<vmem>> -> memref<1x128x128xf32, #tpu.memory_space<vmem>>
        %gather3A_524 = tpu.memref_squeeze %gather3A_523 : memref<1x128x128xf32, #tpu.memory_space<vmem>> -> memref<128x128xf32, #tpu.memory_space<vmem>>
        %gather3A_525 = tpu.vector_load_idx %gather3A_524[%add3A_501, %add3A_519] : memref<128x128xf32, #tpu.memory_space<vmem>>[vector<16xi32>, vector<16xi32>], vector<16xf32>,
        %add3A_526 = arith.constant 2 : i32
        %add3A_527 = arith.addi %mul3A_307, %add3A_526 : i32
        %add3A_528 = vector.broadcast %add3A_527 : i32 to vector<16xi32>
        %add3A_529 = arith.addi %get3A_505, %add3A_528 : vector<16xi32>
        %gather3A_530 = arith.constant 1 : i32
        %gather3A_531 = arith.constant 0 : i32
        %gather3A_532 = arith.constant 0 : i32
        %gather3A_533 = tpu.memref_slice %arg8[%gather3A_530, %gather3A_531, %gather3A_532] : memref<2x128x128xf32, #tpu.memory_space<vmem>> -> memref<1x128x128xf32, #tpu.memory_space<vmem>>
        %gather3A_534 = tpu.memref_squeeze %gather3A_533 : memref<1x128x128xf32, #tpu.memory_space<vmem>> -> memref<128x128xf32, #tpu.memory_space<vmem>>
        %gather3A_535 = tpu.vector_load_idx %gather3A_534[%add3A_501, %add3A_529] : memref<128x128xf32, #tpu.memory_space<vmem>>[vector<16xi32>, vector<16xi32>], vector<16xf32>,
        %add3A_536 = arith.constant 3 : i32
        %add3A_537 = arith.addi %mul3A_307, %add3A_536 : i32
        %add3A_538 = vector.broadcast %add3A_537 : i32 to vector<16xi32>
        %add3A_539 = arith.addi %get3A_505, %add3A_538 : vector<16xi32>
        %gather3A_540 = arith.constant 1 : i32
        %gather3A_541 = arith.constant 0 : i32
        %gather3A_542 = arith.constant 0 : i32
        %gather3A_543 = tpu.memref_slice %arg8[%gather3A_540, %gather3A_541, %gather3A_542] : memref<2x128x128xf32, #tpu.memory_space<vmem>> -> memref<1x128x128xf32, #tpu.memory_space<vmem>>
        %gather3A_544 = tpu.memref_squeeze %gather3A_543 : memref<1x128x128xf32, #tpu.memory_space<vmem>> -> memref<128x128xf32, #tpu.memory_space<vmem>>
        %gather3A_545 = tpu.vector_load_idx %gather3A_544[%add3A_501, %add3A_539] : memref<128x128xf32, #tpu.memory_space<vmem>>[vector<16xi32>, vector<16xi32>], vector<16xf32>,
        %iota3A_546 = tpu.iota {dimensions = array<i32: 0>} : vector<16xi32>
        %add3A_547 = arith.constant 80 : i32
        %add3A_548 = vector.broadcast %add3A_547 : i32 to vector<16xi32>
        %add3A_549 = arith.addi %iota3A_546, %add3A_548 : vector<16xi32>
        %get3A_550 = arith.constant 1 : i32
        %get3A_551 = arith.index_cast %get3A_550 : i32 to index
        %get3A_552 = arith.constant 80 : index
        %get3A_553 = tpu.vector_load %arg7[%get3A_551, %get3A_552] {strides = array<i32>} : memref<2x128xi32, #tpu.memory_space<vmem>>, vector<16xi32>,
        %add3A_554 = arith.constant 0 : i32
        %add3A_555 = arith.addi %mul3A_307, %add3A_554 : i32
        %add3A_556 = vector.broadcast %add3A_555 : i32 to vector<16xi32>
        %add3A_557 = arith.addi %get3A_553, %add3A_556 : vector<16xi32>
        %gather3A_558 = arith.constant 1 : i32
        %gather3A_559 = arith.constant 0 : i32
        %gather3A_560 = arith.constant 0 : i32
        %gather3A_561 = tpu.memref_slice %arg8[%gather3A_558, %gather3A_559, %gather3A_560] : memref<2x128x128xf32, #tpu.memory_space<vmem>> -> memref<1x128x128xf32, #tpu.memory_space<vmem>>
        %gather3A_562 = tpu.memref_squeeze %gather3A_561 : memref<1x128x128xf32, #tpu.memory_space<vmem>> -> memref<128x128xf32, #tpu.memory_space<vmem>>
        %gather3A_563 = tpu.vector_load_idx %gather3A_562[%add3A_549, %add3A_557] : memref<128x128xf32, #tpu.memory_space<vmem>>[vector<16xi32>, vector<16xi32>], vector<16xf32>,
        %add3A_564 = arith.constant 1 : i32
        %add3A_565 = arith.addi %mul3A_307, %add3A_564 : i32
        %add3A_566 = vector.broadcast %add3A_565 : i32 to vector<16xi32>
        %add3A_567 = arith.addi %get3A_553, %add3A_566 : vector<16xi32>
        %gather3A_568 = arith.constant 1 : i32
        %gather3A_569 = arith.constant 0 : i32
        %gather3A_570 = arith.constant 0 : i32
        %gather3A_571 = tpu.memref_slice %arg8[%gather3A_568, %gather3A_569, %gather3A_570] : memref<2x128x128xf32, #tpu.memory_space<vmem>> -> memref<1x128x128xf32, #tpu.memory_space<vmem>>
        %gather3A_572 = tpu.memref_squeeze %gather3A_571 : memref<1x128x128xf32, #tpu.memory_space<vmem>> -> memref<128x128xf32, #tpu.memory_space<vmem>>
        %gather3A_573 = tpu.vector_load_idx %gather3A_572[%add3A_549, %add3A_567] : memref<128x128xf32, #tpu.memory_space<vmem>>[vector<16xi32>, vector<16xi32>], vector<16xf32>,
        %add3A_574 = arith.constant 2 : i32
        %add3A_575 = arith.addi %mul3A_307, %add3A_574 : i32
        %add3A_576 = vector.broadcast %add3A_575 : i32 to vector<16xi32>
        %add3A_577 = arith.addi %get3A_553, %add3A_576 : vector<16xi32>
        %gather3A_578 = arith.constant 1 : i32
        %gather3A_579 = arith.constant 0 : i32
        %gather3A_580 = arith.constant 0 : i32
        %gather3A_581 = tpu.memref_slice %arg8[%gather3A_578, %gather3A_579, %gather3A_580] : memref<2x128x128xf32, #tpu.memory_space<vmem>> -> memref<1x128x128xf32, #tpu.memory_space<vmem>>
        %gather3A_582 = tpu.memref_squeeze %gather3A_581 : memref<1x128x128xf32, #tpu.memory_space<vmem>> -> memref<128x128xf32, #tpu.memory_space<vmem>>
        %gather3A_583 = tpu.vector_load_idx %gather3A_582[%add3A_549, %add3A_577] : memref<128x128xf32, #tpu.memory_space<vmem>>[vector<16xi32>, vector<16xi32>], vector<16xf32>,
        %add3A_584 = arith.constant 3 : i32
        %add3A_585 = arith.addi %mul3A_307, %add3A_584 : i32
        %add3A_586 = vector.broadcast %add3A_585 : i32 to vector<16xi32>
        %add3A_587 = arith.addi %get3A_553, %add3A_586 : vector<16xi32>
        %gather3A_588 = arith.constant 1 : i32
        %gather3A_589 = arith.constant 0 : i32
        %gather3A_590 = arith.constant 0 : i32
        %gather3A_591 = tpu.memref_slice %arg8[%gather3A_588, %gather3A_589, %gather3A_590] : memref<2x128x128xf32, #tpu.memory_space<vmem>> -> memref<1x128x128xf32, #tpu.memory_space<vmem>>
        %gather3A_592 = tpu.memref_squeeze %gather3A_591 : memref<1x128x128xf32, #tpu.memory_space<vmem>> -> memref<128x128xf32, #tpu.memory_space<vmem>>
        %gather3A_593 = tpu.vector_load_idx %gather3A_592[%add3A_549, %add3A_587] : memref<128x128xf32, #tpu.memory_space<vmem>>[vector<16xi32>, vector<16xi32>], vector<16xf32>,
        %iota3A_594 = tpu.iota {dimensions = array<i32: 0>} : vector<16xi32>
        %add3A_595 = arith.constant 96 : i32
        %add3A_596 = vector.broadcast %add3A_595 : i32 to vector<16xi32>
        %add3A_597 = arith.addi %iota3A_594, %add3A_596 : vector<16xi32>
        %get3A_598 = arith.constant 1 : i32
        %get3A_599 = arith.index_cast %get3A_598 : i32 to index
        %get3A_600 = arith.constant 96 : index
        %get3A_601 = tpu.vector_load %arg7[%get3A_599, %get3A_600] {strides = array<i32>} : memref<2x128xi32, #tpu.memory_space<vmem>>, vector<16xi32>,
        %add3A_602 = arith.constant 0 : i32
        %add3A_603 = arith.addi %mul3A_307, %add3A_602 : i32
        %add3A_604 = vector.broadcast %add3A_603 : i32 to vector<16xi32>
        %add3A_605 = arith.addi %get3A_601, %add3A_604 : vector<16xi32>
        %gather3A_606 = arith.constant 1 : i32
        %gather3A_607 = arith.constant 0 : i32
        %gather3A_608 = arith.constant 0 : i32
        %gather3A_609 = tpu.memref_slice %arg8[%gather3A_606, %gather3A_607, %gather3A_608] : memref<2x128x128xf32, #tpu.memory_space<vmem>> -> memref<1x128x128xf32, #tpu.memory_space<vmem>>
        %gather3A_610 = tpu.memref_squeeze %gather3A_609 : memref<1x128x128xf32, #tpu.memory_space<vmem>> -> memref<128x128xf32, #tpu.memory_space<vmem>>
        %gather3A_611 = tpu.vector_load_idx %gather3A_610[%add3A_597, %add3A_605] : memref<128x128xf32, #tpu.memory_space<vmem>>[vector<16xi32>, vector<16xi32>], vector<16xf32>,
        %add3A_612 = arith.constant 1 : i32
        %add3A_613 = arith.addi %mul3A_307, %add3A_612 : i32
        %add3A_614 = vector.broadcast %add3A_613 : i32 to vector<16xi32>
        %add3A_615 = arith.addi %get3A_601, %add3A_614 : vector<16xi32>
        %gather3A_616 = arith.constant 1 : i32
        %gather3A_617 = arith.constant 0 : i32
        %gather3A_618 = arith.constant 0 : i32
        %gather3A_619 = tpu.memref_slice %arg8[%gather3A_616, %gather3A_617, %gather3A_618] : memref<2x128x128xf32, #tpu.memory_space<vmem>> -> memref<1x128x128xf32, #tpu.memory_space<vmem>>
        %gather3A_620 = tpu.memref_squeeze %gather3A_619 : memref<1x128x128xf32, #tpu.memory_space<vmem>> -> memref<128x128xf32, #tpu.memory_space<vmem>>
        %gather3A_621 = tpu.vector_load_idx %gather3A_620[%add3A_597, %add3A_615] : memref<128x128xf32, #tpu.memory_space<vmem>>[vector<16xi32>, vector<16xi32>], vector<16xf32>,
        %add3A_622 = arith.constant 2 : i32
        %add3A_623 = arith.addi %mul3A_307, %add3A_622 : i32
        %add3A_624 = vector.broadcast %add3A_623 : i32 to vector<16xi32>
        %add3A_625 = arith.addi %get3A_601, %add3A_624 : vector<16xi32>
        %gather3A_626 = arith.constant 1 : i32
        %gather3A_627 = arith.constant 0 : i32
        %gather3A_628 = arith.constant 0 : i32
        %gather3A_629 = tpu.memref_slice %arg8[%gather3A_626, %gather3A_627, %gather3A_628] : memref<2x128x128xf32, #tpu.memory_space<vmem>> -> memref<1x128x128xf32, #tpu.memory_space<vmem>>
        %gather3A_630 = tpu.memref_squeeze %gather3A_629 : memref<1x128x128xf32, #tpu.memory_space<vmem>> -> memref<128x128xf32, #tpu.memory_space<vmem>>
        %gather3A_631 = tpu.vector_load_idx %gather3A_630[%add3A_597, %add3A_625] : memref<128x128xf32, #tpu.memory_space<vmem>>[vector<16xi32>, vector<16xi32>], vector<16xf32>,
        %add3A_632 = arith.constant 3 : i32
        %add3A_633 = arith.addi %mul3A_307, %add3A_632 : i32
        %add3A_634 = vector.broadcast %add3A_633 : i32 to vector<16xi32>
        %add3A_635 = arith.addi %get3A_601, %add3A_634 : vector<16xi32>
        %gather3A_636 = arith.constant 1 : i32
        %gather3A_637 = arith.constant 0 : i32
        %gather3A_638 = arith.constant 0 : i32
        %gather3A_639 = tpu.memref_slice %arg8[%gather3A_636, %gather3A_637, %gather3A_638] : memref<2x128x128xf32, #tpu.memory_space<vmem>> -> memref<1x128x128xf32, #tpu.memory_space<vmem>>
        %gather3A_640 = tpu.memref_squeeze %gather3A_639 : memref<1x128x128xf32, #tpu.memory_space<vmem>> -> memref<128x128xf32, #tpu.memory_space<vmem>>
        %gather3A_641 = tpu.vector_load_idx %gather3A_640[%add3A_597, %add3A_635] : memref<128x128xf32, #tpu.memory_space<vmem>>[vector<16xi32>, vector<16xi32>], vector<16xf32>,
        %iota3A_642 = tpu.iota {dimensions = array<i32: 0>} : vector<16xi32>
        %add3A_643 = arith.constant 112 : i32
        %add3A_644 = vector.broadcast %add3A_643 : i32 to vector<16xi32>
        %add3A_645 = arith.addi %iota3A_642, %add3A_644 : vector<16xi32>
        %get3A_646 = arith.constant 1 : i32
        %get3A_647 = arith.index_cast %get3A_646 : i32 to index
        %get3A_648 = arith.constant 112 : index
        %get3A_649 = tpu.vector_load %arg7[%get3A_647, %get3A_648] {strides = array<i32>} : memref<2x128xi32, #tpu.memory_space<vmem>>, vector<16xi32>,
        %add3A_650 = arith.constant 0 : i32
        %add3A_651 = arith.addi %mul3A_307, %add3A_650 : i32
        %add3A_652 = vector.broadcast %add3A_651 : i32 to vector<16xi32>
        %add3A_653 = arith.addi %get3A_649, %add3A_652 : vector<16xi32>
        %gather3A_654 = arith.constant 1 : i32
        %gather3A_655 = arith.constant 0 : i32
        %gather3A_656 = arith.constant 0 : i32
        %gather3A_657 = tpu.memref_slice %arg8[%gather3A_654, %gather3A_655, %gather3A_656] : memref<2x128x128xf32, #tpu.memory_space<vmem>> -> memref<1x128x128xf32, #tpu.memory_space<vmem>>
        %gather3A_658 = tpu.memref_squeeze %gather3A_657 : memref<1x128x128xf32, #tpu.memory_space<vmem>> -> memref<128x128xf32, #tpu.memory_space<vmem>>
        %gather3A_659 = tpu.vector_load_idx %gather3A_658[%add3A_645, %add3A_653] : memref<128x128xf32, #tpu.memory_space<vmem>>[vector<16xi32>, vector<16xi32>], vector<16xf32>,
        %add3A_660 = arith.constant 1 : i32
        %add3A_661 = arith.addi %mul3A_307, %add3A_660 : i32
        %add3A_662 = vector.broadcast %add3A_661 : i32 to vector<16xi32>
        %add3A_663 = arith.addi %get3A_649, %add3A_662 : vector<16xi32>
        %gather3A_664 = arith.constant 1 : i32
        %gather3A_665 = arith.constant 0 : i32
        %gather3A_666 = arith.constant 0 : i32
        %gather3A_667 = tpu.memref_slice %arg8[%gather3A_664, %gather3A_665, %gather3A_666] : memref<2x128x128xf32, #tpu.memory_space<vmem>> -> memref<1x128x128xf32, #tpu.memory_space<vmem>>
        %gather3A_668 = tpu.memref_squeeze %gather3A_667 : memref<1x128x128xf32, #tpu.memory_space<vmem>> -> memref<128x128xf32, #tpu.memory_space<vmem>>
        %gather3A_669 = tpu.vector_load_idx %gather3A_668[%add3A_645, %add3A_663] : memref<128x128xf32, #tpu.memory_space<vmem>>[vector<16xi32>, vector<16xi32>], vector<16xf32>,
        %add3A_670 = arith.constant 2 : i32
        %add3A_671 = arith.addi %mul3A_307, %add3A_670 : i32
        %add3A_672 = vector.broadcast %add3A_671 : i32 to vector<16xi32>
        %add3A_673 = arith.addi %get3A_649, %add3A_672 : vector<16xi32>
        %gather3A_674 = arith.constant 1 : i32
        %gather3A_675 = arith.constant 0 : i32
        %gather3A_676 = arith.constant 0 : i32
        %gather3A_677 = tpu.memref_slice %arg8[%gather3A_674, %gather3A_675, %gather3A_676] : memref<2x128x128xf32, #tpu.memory_space<vmem>> -> memref<1x128x128xf32, #tpu.memory_space<vmem>>
        %gather3A_678 = tpu.memref_squeeze %gather3A_677 : memref<1x128x128xf32, #tpu.memory_space<vmem>> -> memref<128x128xf32, #tpu.memory_space<vmem>>
        %gather3A_679 = tpu.vector_load_idx %gather3A_678[%add3A_645, %add3A_673] : memref<128x128xf32, #tpu.memory_space<vmem>>[vector<16xi32>, vector<16xi32>], vector<16xf32>,
        %add3A_680 = arith.constant 3 : i32
        %add3A_681 = arith.addi %mul3A_307, %add3A_680 : i32
        %add3A_682 = vector.broadcast %add3A_681 : i32 to vector<16xi32>
        %add3A_683 = arith.addi %get3A_649, %add3A_682 : vector<16xi32>
        %gather3A_684 = arith.constant 1 : i32
        %gather3A_685 = arith.constant 0 : i32
        %gather3A_686 = arith.constant 0 : i32
        %gather3A_687 = tpu.memref_slice %arg8[%gather3A_684, %gather3A_685, %gather3A_686] : memref<2x128x128xf32, #tpu.memory_space<vmem>> -> memref<1x128x128xf32, #tpu.memory_space<vmem>>
        %gather3A_688 = tpu.memref_squeeze %gather3A_687 : memref<1x128x128xf32, #tpu.memory_space<vmem>> -> memref<128x128xf32, #tpu.memory_space<vmem>>
        %gather3A_689 = tpu.vector_load_idx %gather3A_688[%add3A_645, %add3A_683] : memref<128x128xf32, #tpu.memory_space<vmem>>[vector<16xi32>, vector<16xi32>], vector<16xf32>,
        %add3A_690 = arith.constant 0 : i32
        %add3A_691 = arith.addi %mul3A_307, %add3A_690 : i32
        %swap3A_692 = arith.constant 1 : i32
        %swap3A_693 = arith.index_cast %swap3A_692 : i32 to index
        %swap3A_694 = arith.index_cast %add3A_691 : i32 to index
        %swap3A_695 = arith.constant 0 : index
        %swap3A_696 = tpu.vector_load %arg9[%swap3A_693, %swap3A_694, %swap3A_695] {strides = array<i32>} : memref<2x64x128xf32, #tpu.memory_space<vmem>>, vector<16xf32>,
        tpu.vector_store %arg9[%swap3A_693, %swap3A_694, %swap3A_695], %gather3A_323 {strides = array<i32>} : memref<2x64x128xf32, #tpu.memory_space<vmem>>, vector<16xf32>,
        %add3A_697 = arith.constant 1 : i32
        %add3A_698 = arith.addi %mul3A_307, %add3A_697 : i32
        %swap3A_699 = arith.constant 1 : i32
        %swap3A_700 = arith.index_cast %swap3A_699 : i32 to index
        %swap3A_701 = arith.index_cast %add3A_698 : i32 to index
        %swap3A_702 = arith.constant 0 : index
        %swap3A_703 = tpu.vector_load %arg9[%swap3A_700, %swap3A_701, %swap3A_702] {strides = array<i32>} : memref<2x64x128xf32, #tpu.memory_space<vmem>>, vector<16xf32>,
        tpu.vector_store %arg9[%swap3A_700, %swap3A_701, %swap3A_702], %gather3A_333 {strides = array<i32>} : memref<2x64x128xf32, #tpu.memory_space<vmem>>, vector<16xf32>,
        %add3A_704 = arith.constant 2 : i32
        %add3A_705 = arith.addi %mul3A_307, %add3A_704 : i32
        %swap3A_706 = arith.constant 1 : i32
        %swap3A_707 = arith.index_cast %swap3A_706 : i32 to index
        %swap3A_708 = arith.index_cast %add3A_705 : i32 to index
        %swap3A_709 = arith.constant 0 : index
        %swap3A_710 = tpu.vector_load %arg9[%swap3A_707, %swap3A_708, %swap3A_709] {strides = array<i32>} : memref<2x64x128xf32, #tpu.memory_space<vmem>>, vector<16xf32>,
        tpu.vector_store %arg9[%swap3A_707, %swap3A_708, %swap3A_709], %gather3A_343 {strides = array<i32>} : memref<2x64x128xf32, #tpu.memory_space<vmem>>, vector<16xf32>,
        %add3A_711 = arith.constant 3 : i32
        %add3A_712 = arith.addi %mul3A_307, %add3A_711 : i32
        %swap3A_713 = arith.constant 1 : i32
        %swap3A_714 = arith.index_cast %swap3A_713 : i32 to index
        %swap3A_715 = arith.index_cast %add3A_712 : i32 to index
        %swap3A_716 = arith.constant 0 : index
        %swap3A_717 = tpu.vector_load %arg9[%swap3A_714, %swap3A_715, %swap3A_716] {strides = array<i32>} : memref<2x64x128xf32, #tpu.memory_space<vmem>>, vector<16xf32>,
        tpu.vector_store %arg9[%swap3A_714, %swap3A_715, %swap3A_716], %gather3A_353 {strides = array<i32>} : memref<2x64x128xf32, #tpu.memory_space<vmem>>, vector<16xf32>,
        %add3A_718 = arith.constant 0 : i32
        %add3A_719 = arith.addi %mul3A_307, %add3A_718 : i32
        %swap3A_720 = arith.constant 1 : i32
        %swap3A_721 = arith.index_cast %swap3A_720 : i32 to index
        %swap3A_722 = arith.index_cast %add3A_719 : i32 to index
        %swap3A_723 = arith.constant 16 : index
        %swap3A_724 = tpu.vector_load %arg9[%swap3A_721, %swap3A_722, %swap3A_723] {strides = array<i32>} : memref<2x64x128xf32, #tpu.memory_space<vmem>>, vector<16xf32>,
        tpu.vector_store %arg9[%swap3A_721, %swap3A_722, %swap3A_723], %gather3A_371 {strides = array<i32>} : memref<2x64x128xf32, #tpu.memory_space<vmem>>, vector<16xf32>,
        %add3A_725 = arith.constant 1 : i32
        %add3A_726 = arith.addi %mul3A_307, %add3A_725 : i32
        %swap3A_727 = arith.constant 1 : i32
        %swap3A_728 = arith.index_cast %swap3A_727 : i32 to index
        %swap3A_729 = arith.index_cast %add3A_726 : i32 to index
        %swap3A_730 = arith.constant 16 : index
        %swap3A_731 = tpu.vector_load %arg9[%swap3A_728, %swap3A_729, %swap3A_730] {strides = array<i32>} : memref<2x64x128xf32, #tpu.memory_space<vmem>>, vector<16xf32>,
        tpu.vector_store %arg9[%swap3A_728, %swap3A_729, %swap3A_730], %gather3A_381 {strides = array<i32>} : memref<2x64x128xf32, #tpu.memory_space<vmem>>, vector<16xf32>,
        %add3A_732 = arith.constant 2 : i32
        %add3A_733 = arith.addi %mul3A_307, %add3A_732 : i32
        %swap3A_734 = arith.constant 1 : i32
        %swap3A_735 = arith.index_cast %swap3A_734 : i32 to index
        %swap3A_736 = arith.index_cast %add3A_733 : i32 to index
        %swap3A_737 = arith.constant 16 : index
        %swap3A_738 = tpu.vector_load %arg9[%swap3A_735, %swap3A_736, %swap3A_737] {strides = array<i32>} : memref<2x64x128xf32, #tpu.memory_space<vmem>>, vector<16xf32>,
        tpu.vector_store %arg9[%swap3A_735, %swap3A_736, %swap3A_737], %gather3A_391 {strides = array<i32>} : memref<2x64x128xf32, #tpu.memory_space<vmem>>, vector<16xf32>,
        %add3A_739 = arith.constant 3 : i32
        %add3A_740 = arith.addi %mul3A_307, %add3A_739 : i32
        %swap3A_741 = arith.constant 1 : i32
        %swap3A_742 = arith.index_cast %swap3A_741 : i32 to index
        %swap3A_743 = arith.index_cast %add3A_740 : i32 to index
        %swap3A_744 = arith.constant 16 : index
        %swap3A_745 = tpu.vector_load %arg9[%swap3A_742, %swap3A_743, %swap3A_744] {strides = array<i32>} : memref<2x64x128xf32, #tpu.memory_space<vmem>>, vector<16xf32>,
        tpu.vector_store %arg9[%swap3A_742, %swap3A_743, %swap3A_744], %gather3A_401 {strides = array<i32>} : memref<2x64x128xf32, #tpu.memory_space<vmem>>, vector<16xf32>,
        %add3A_746 = arith.constant 0 : i32
        %add3A_747 = arith.addi %mul3A_307, %add3A_746 : i32
        %swap3A_748 = arith.constant 1 : i32
        %swap3A_749 = arith.index_cast %swap3A_748 : i32 to index
        %swap3A_750 = arith.index_cast %add3A_747 : i32 to index
        %swap3A_751 = arith.constant 32 : index
        %swap3A_752 = tpu.vector_load %arg9[%swap3A_749, %swap3A_750, %swap3A_751] {strides = array<i32>} : memref<2x64x128xf32, #tpu.memory_space<vmem>>, vector<16xf32>,
        tpu.vector_store %arg9[%swap3A_749, %swap3A_750, %swap3A_751], %gather3A_419 {strides = array<i32>} : memref<2x64x128xf32, #tpu.memory_space<vmem>>, vector<16xf32>,
        %add3A_753 = arith.constant 1 : i32
        %add3A_754 = arith.addi %mul3A_307, %add3A_753 : i32
        %swap3A_755 = arith.constant 1 : i32
        %swap3A_756 = arith.index_cast %swap3A_755 : i32 to index
        %swap3A_757 = arith.index_cast %add3A_754 : i32 to index
        %swap3A_758 = arith.constant 32 : index
        %swap3A_759 = tpu.vector_load %arg9[%swap3A_756, %swap3A_757, %swap3A_758] {strides = array<i32>} : memref<2x64x128xf32, #tpu.memory_space<vmem>>, vector<16xf32>,
        tpu.vector_store %arg9[%swap3A_756, %swap3A_757, %swap3A_758], %gather3A_429 {strides = array<i32>} : memref<2x64x128xf32, #tpu.memory_space<vmem>>, vector<16xf32>,
        %add3A_760 = arith.constant 2 : i32
        %add3A_761 = arith.addi %mul3A_307, %add3A_760 : i32
        %swap3A_762 = arith.constant 1 : i32
        %swap3A_763 = arith.index_cast %swap3A_762 : i32 to index
        %swap3A_764 = arith.index_cast %add3A_761 : i32 to index
        %swap3A_765 = arith.constant 32 : index
        %swap3A_766 = tpu.vector_load %arg9[%swap3A_763, %swap3A_764, %swap3A_765] {strides = array<i32>} : memref<2x64x128xf32, #tpu.memory_space<vmem>>, vector<16xf32>,
        tpu.vector_store %arg9[%swap3A_763, %swap3A_764, %swap3A_765], %gather3A_439 {strides = array<i32>} : memref<2x64x128xf32, #tpu.memory_space<vmem>>, vector<16xf32>,
        %add3A_767 = arith.constant 3 : i32
        %add3A_768 = arith.addi %mul3A_307, %add3A_767 : i32
        %swap3A_769 = arith.constant 1 : i32
        %swap3A_770 = arith.index_cast %swap3A_769 : i32 to index
        %swap3A_771 = arith.index_cast %add3A_768 : i32 to index
        %swap3A_772 = arith.constant 32 : index
        %swap3A_773 = tpu.vector_load %arg9[%swap3A_770, %swap3A_771, %swap3A_772] {strides = array<i32>} : memref<2x64x128xf32, #tpu.memory_space<vmem>>, vector<16xf32>,
        tpu.vector_store %arg9[%swap3A_770, %swap3A_771, %swap3A_772], %gather3A_449 {strides = array<i32>} : memref<2x64x128xf32, #tpu.memory_space<vmem>>, vector<16xf32>,
        %add3A_774 = arith.constant 0 : i32
        %add3A_775 = arith.addi %mul3A_307, %add3A_774 : i32
        %swap3A_776 = arith.constant 1 : i32
        %swap3A_777 = arith.index_cast %swap3A_776 : i32 to index
        %swap3A_778 = arith.index_cast %add3A_775 : i32 to index
        %swap3A_779 = arith.constant 48 : index
        %swap3A_780 = tpu.vector_load %arg9[%swap3A_777, %swap3A_778, %swap3A_779] {strides = array<i32>} : memref<2x64x128xf32, #tpu.memory_space<vmem>>, vector<16xf32>,
        tpu.vector_store %arg9[%swap3A_777, %swap3A_778, %swap3A_779], %gather3A_467 {strides = array<i32>} : memref<2x64x128xf32, #tpu.memory_space<vmem>>, vector<16xf32>,
        %add3A_781 = arith.constant 1 : i32
        %add3A_782 = arith.addi %mul3A_307, %add3A_781 : i32
        %swap3A_783 = arith.constant 1 : i32
        %swap3A_784 = arith.index_cast %swap3A_783 : i32 to index
        %swap3A_785 = arith.index_cast %add3A_782 : i32 to index
        %swap3A_786 = arith.constant 48 : index
        %swap3A_787 = tpu.vector_load %arg9[%swap3A_784, %swap3A_785, %swap3A_786] {strides = array<i32>} : memref<2x64x128xf32, #tpu.memory_space<vmem>>, vector<16xf32>,
        tpu.vector_store %arg9[%swap3A_784, %swap3A_785, %swap3A_786], %gather3A_477 {strides = array<i32>} : memref<2x64x128xf32, #tpu.memory_space<vmem>>, vector<16xf32>,
        %add3A_788 = arith.constant 2 : i32
        %add3A_789 = arith.addi %mul3A_307, %add3A_788 : i32
        %swap3A_790 = arith.constant 1 : i32
        %swap3A_791 = arith.index_cast %swap3A_790 : i32 to index
        %swap3A_792 = arith.index_cast %add3A_789 : i32 to index
        %swap3A_793 = arith.constant 48 : index
        %swap3A_794 = tpu.vector_load %arg9[%swap3A_791, %swap3A_792, %swap3A_793] {strides = array<i32>} : memref<2x64x128xf32, #tpu.memory_space<vmem>>, vector<16xf32>,
        tpu.vector_store %arg9[%swap3A_791, %swap3A_792, %swap3A_793], %gather3A_487 {strides = array<i32>} : memref<2x64x128xf32, #tpu.memory_space<vmem>>, vector<16xf32>,
        %add3A_795 = arith.constant 3 : i32
        %add3A_796 = arith.addi %mul3A_307, %add3A_795 : i32
        %swap3A_797 = arith.constant 1 : i32
        %swap3A_798 = arith.index_cast %swap3A_797 : i32 to index
        %swap3A_799 = arith.index_cast %add3A_796 : i32 to index
        %swap3A_800 = arith.constant 48 : index
        %swap3A_801 = tpu.vector_load %arg9[%swap3A_798, %swap3A_799, %swap3A_800] {strides = array<i32>} : memref<2x64x128xf32, #tpu.memory_space<vmem>>, vector<16xf32>,
        tpu.vector_store %arg9[%swap3A_798, %swap3A_799, %swap3A_800], %gather3A_497 {strides = array<i32>} : memref<2x64x128xf32, #tpu.memory_space<vmem>>, vector<16xf32>,
        %add3A_802 = arith.constant 0 : i32
        %add3A_803 = arith.addi %mul3A_307, %add3A_802 : i32
        %swap3A_804 = arith.constant 1 : i32
        %swap3A_805 = arith.index_cast %swap3A_804 : i32 to index
        %swap3A_806 = arith.index_cast %add3A_803 : i32 to index
        %swap3A_807 = arith.constant 64 : index
        %swap3A_808 = tpu.vector_load %arg9[%swap3A_805, %swap3A_806, %swap3A_807] {strides = array<i32>} : memref<2x64x128xf32, #tpu.memory_space<vmem>>, vector<16xf32>,
        tpu.vector_store %arg9[%swap3A_805, %swap3A_806, %swap3A_807], %gather3A_515 {strides = array<i32>} : memref<2x64x128xf32, #tpu.memory_space<vmem>>, vector<16xf32>,
        %add3A_809 = arith.constant 1 : i32
        %add3A_810 = arith.addi %mul3A_307, %add3A_809 : i32
        %swap3A_811 = arith.constant 1 : i32
        %swap3A_812 = arith.index_cast %swap3A_811 : i32 to index
        %swap3A_813 = arith.index_cast %add3A_810 : i32 to index
        %swap3A_814 = arith.constant 64 : index
        %swap3A_815 = tpu.vector_load %arg9[%swap3A_812, %swap3A_813, %swap3A_814] {strides = array<i32>} : memref<2x64x128xf32, #tpu.memory_space<vmem>>, vector<16xf32>,
        tpu.vector_store %arg9[%swap3A_812, %swap3A_813, %swap3A_814], %gather3A_525 {strides = array<i32>} : memref<2x64x128xf32, #tpu.memory_space<vmem>>, vector<16xf32>,
        %add3A_816 = arith.constant 2 : i32
        %add3A_817 = arith.addi %mul3A_307, %add3A_816 : i32
        %swap3A_818 = arith.constant 1 : i32
        %swap3A_819 = arith.index_cast %swap3A_818 : i32 to index
        %swap3A_820 = arith.index_cast %add3A_817 : i32 to index
        %swap3A_821 = arith.constant 64 : index
        %swap3A_822 = tpu.vector_load %arg9[%swap3A_819, %swap3A_820, %swap3A_821] {strides = array<i32>} : memref<2x64x128xf32, #tpu.memory_space<vmem>>, vector<16xf32>,
        tpu.vector_store %arg9[%swap3A_819, %swap3A_820, %swap3A_821], %gather3A_535 {strides = array<i32>} : memref<2x64x128xf32, #tpu.memory_space<vmem>>, vector<16xf32>,
        %add3A_823 = arith.constant 3 : i32
        %add3A_824 = arith.addi %mul3A_307, %add3A_823 : i32
        %swap3A_825 = arith.constant 1 : i32
        %swap3A_826 = arith.index_cast %swap3A_825 : i32 to index
        %swap3A_827 = arith.index_cast %add3A_824 : i32 to index
        %swap3A_828 = arith.constant 64 : index
        %swap3A_829 = tpu.vector_load %arg9[%swap3A_826, %swap3A_827, %swap3A_828] {strides = array<i32>} : memref<2x64x128xf32, #tpu.memory_space<vmem>>, vector<16xf32>,
        tpu.vector_store %arg9[%swap3A_826, %swap3A_827, %swap3A_828], %gather3A_545 {strides = array<i32>} : memref<2x64x128xf32, #tpu.memory_space<vmem>>, vector<16xf32>,
        %add3A_830 = arith.constant 0 : i32
        %add3A_831 = arith.addi %mul3A_307, %add3A_830 : i32
        %swap3A_832 = arith.constant 1 : i32
        %swap3A_833 = arith.index_cast %swap3A_832 : i32 to index
        %swap3A_834 = arith.index_cast %add3A_831 : i32 to index
        %swap3A_835 = arith.constant 80 : index
        %swap3A_836 = tpu.vector_load %arg9[%swap3A_833, %swap3A_834, %swap3A_835] {strides = array<i32>} : memref<2x64x128xf32, #tpu.memory_space<vmem>>, vector<16xf32>,
        tpu.vector_store %arg9[%swap3A_833, %swap3A_834, %swap3A_835], %gather3A_563 {strides = array<i32>} : memref<2x64x128xf32, #tpu.memory_space<vmem>>, vector<16xf32>,
        %add3A_837 = arith.constant 1 : i32
        %add3A_838 = arith.addi %mul3A_307, %add3A_837 : i32
        %swap3A_839 = arith.constant 1 : i32
        %swap3A_840 = arith.index_cast %swap3A_839 : i32 to index
        %swap3A_841 = arith.index_cast %add3A_838 : i32 to index
        %swap3A_842 = arith.constant 80 : index
        %swap3A_843 = tpu.vector_load %arg9[%swap3A_840, %swap3A_841, %swap3A_842] {strides = array<i32>} : memref<2x64x128xf32, #tpu.memory_space<vmem>>, vector<16xf32>,
        tpu.vector_store %arg9[%swap3A_840, %swap3A_841, %swap3A_842], %gather3A_573 {strides = array<i32>} : memref<2x64x128xf32, #tpu.memory_space<vmem>>, vector<16xf32>,
        %add3A_844 = arith.constant 2 : i32
        %add3A_845 = arith.addi %mul3A_307, %add3A_844 : i32
        %swap3A_846 = arith.constant 1 : i32
        %swap3A_847 = arith.index_cast %swap3A_846 : i32 to index
        %swap3A_848 = arith.index_cast %add3A_845 : i32 to index
        %swap3A_849 = arith.constant 80 : index
        %swap3A_850 = tpu.vector_load %arg9[%swap3A_847, %swap3A_848, %swap3A_849] {strides = array<i32>} : memref<2x64x128xf32, #tpu.memory_space<vmem>>, vector<16xf32>,
        tpu.vector_store %arg9[%swap3A_847, %swap3A_848, %swap3A_849], %gather3A_583 {strides = array<i32>} : memref<2x64x128xf32, #tpu.memory_space<vmem>>, vector<16xf32>,
        %add3A_851 = arith.constant 3 : i32
        %add3A_852 = arith.addi %mul3A_307, %add3A_851 : i32
        %swap3A_853 = arith.constant 1 : i32
        %swap3A_854 = arith.index_cast %swap3A_853 : i32 to index
        %swap3A_855 = arith.index_cast %add3A_852 : i32 to index
        %swap3A_856 = arith.constant 80 : index
        %swap3A_857 = tpu.vector_load %arg9[%swap3A_854, %swap3A_855, %swap3A_856] {strides = array<i32>} : memref<2x64x128xf32, #tpu.memory_space<vmem>>, vector<16xf32>,
        tpu.vector_store %arg9[%swap3A_854, %swap3A_855, %swap3A_856], %gather3A_593 {strides = array<i32>} : memref<2x64x128xf32, #tpu.memory_space<vmem>>, vector<16xf32>,
        %add3A_858 = arith.constant 0 : i32
        %add3A_859 = arith.addi %mul3A_307, %add3A_858 : i32
        %swap3A_860 = arith.constant 1 : i32
        %swap3A_861 = arith.index_cast %swap3A_860 : i32 to index
        %swap3A_862 = arith.index_cast %add3A_859 : i32 to index
        %swap3A_863 = arith.constant 96 : index
        %swap3A_864 = tpu.vector_load %arg9[%swap3A_861, %swap3A_862, %swap3A_863] {strides = array<i32>} : memref<2x64x128xf32, #tpu.memory_space<vmem>>, vector<16xf32>,
        tpu.vector_store %arg9[%swap3A_861, %swap3A_862, %swap3A_863], %gather3A_611 {strides = array<i32>} : memref<2x64x128xf32, #tpu.memory_space<vmem>>, vector<16xf32>,
        %add3A_865 = arith.constant 1 : i32
        %add3A_866 = arith.addi %mul3A_307, %add3A_865 : i32
        %swap3A_867 = arith.constant 1 : i32
        %swap3A_868 = arith.index_cast %swap3A_867 : i32 to index
        %swap3A_869 = arith.index_cast %add3A_866 : i32 to index
        %swap3A_870 = arith.constant 96 : index
        %swap3A_871 = tpu.vector_load %arg9[%swap3A_868, %swap3A_869, %swap3A_870] {strides = array<i32>} : memref<2x64x128xf32, #tpu.memory_space<vmem>>, vector<16xf32>,
        tpu.vector_store %arg9[%swap3A_868, %swap3A_869, %swap3A_870], %gather3A_621 {strides = array<i32>} : memref<2x64x128xf32, #tpu.memory_space<vmem>>, vector<16xf32>,
        %add3A_872 = arith.constant 2 : i32
        %add3A_873 = arith.addi %mul3A_307, %add3A_872 : i32
        %swap3A_874 = arith.constant 1 : i32
        %swap3A_875 = arith.index_cast %swap3A_874 : i32 to index
        %swap3A_876 = arith.index_cast %add3A_873 : i32 to index
        %swap3A_877 = arith.constant 96 : index
        %swap3A_878 = tpu.vector_load %arg9[%swap3A_875, %swap3A_876, %swap3A_877] {strides = array<i32>} : memref<2x64x128xf32, #tpu.memory_space<vmem>>, vector<16xf32>,
        tpu.vector_store %arg9[%swap3A_875, %swap3A_876, %swap3A_877], %gather3A_631 {strides = array<i32>} : memref<2x64x128xf32, #tpu.memory_space<vmem>>, vector<16xf32>,
        %add3A_879 = arith.constant 3 : i32
        %add3A_880 = arith.addi %mul3A_307, %add3A_879 : i32
        %swap3A_881 = arith.constant 1 : i32
        %swap3A_882 = arith.index_cast %swap3A_881 : i32 to index
        %swap3A_883 = arith.index_cast %add3A_880 : i32 to index
        %swap3A_884 = arith.constant 96 : index
        %swap3A_885 = tpu.vector_load %arg9[%swap3A_882, %swap3A_883, %swap3A_884] {strides = array<i32>} : memref<2x64x128xf32, #tpu.memory_space<vmem>>, vector<16xf32>,
        tpu.vector_store %arg9[%swap3A_882, %swap3A_883, %swap3A_884], %gather3A_641 {strides = array<i32>} : memref<2x64x128xf32, #tpu.memory_space<vmem>>, vector<16xf32>,
        %add3A_886 = arith.constant 0 : i32
        %add3A_887 = arith.addi %mul3A_307, %add3A_886 : i32
        %swap3A_888 = arith.constant 1 : i32
        %swap3A_889 = arith.index_cast %swap3A_888 : i32 to index
        %swap3A_890 = arith.index_cast %add3A_887 : i32 to index
        %swap3A_891 = arith.constant 112 : index
        %swap3A_892 = tpu.vector_load %arg9[%swap3A_889, %swap3A_890, %swap3A_891] {strides = array<i32>} : memref<2x64x128xf32, #tpu.memory_space<vmem>>, vector<16xf32>,
        tpu.vector_store %arg9[%swap3A_889, %swap3A_890, %swap3A_891], %gather3A_659 {strides = array<i32>} : memref<2x64x128xf32, #tpu.memory_space<vmem>>, vector<16xf32>,
        %add3A_893 = arith.constant 1 : i32
        %add3A_894 = arith.addi %mul3A_307, %add3A_893 : i32
        %swap3A_895 = arith.constant 1 : i32
        %swap3A_896 = arith.index_cast %swap3A_895 : i32 to index
        %swap3A_897 = arith.index_cast %add3A_894 : i32 to index
        %swap3A_898 = arith.constant 112 : index
        %swap3A_899 = tpu.vector_load %arg9[%swap3A_896, %swap3A_897, %swap3A_898] {strides = array<i32>} : memref<2x64x128xf32, #tpu.memory_space<vmem>>, vector<16xf32>,
        tpu.vector_store %arg9[%swap3A_896, %swap3A_897, %swap3A_898], %gather3A_669 {strides = array<i32>} : memref<2x64x128xf32, #tpu.memory_space<vmem>>, vector<16xf32>,
        %add3A_900 = arith.constant 2 : i32
        %add3A_901 = arith.addi %mul3A_307, %add3A_900 : i32
        %swap3A_902 = arith.constant 1 : i32
        %swap3A_903 = arith.index_cast %swap3A_902 : i32 to index
        %swap3A_904 = arith.index_cast %add3A_901 : i32 to index
        %swap3A_905 = arith.constant 112 : index
        %swap3A_906 = tpu.vector_load %arg9[%swap3A_903, %swap3A_904, %swap3A_905] {strides = array<i32>} : memref<2x64x128xf32, #tpu.memory_space<vmem>>, vector<16xf32>,
        tpu.vector_store %arg9[%swap3A_903, %swap3A_904, %swap3A_905], %gather3A_679 {strides = array<i32>} : memref<2x64x128xf32, #tpu.memory_space<vmem>>, vector<16xf32>,
        %add3A_907 = arith.constant 3 : i32
        %add3A_908 = arith.addi %mul3A_307, %add3A_907 : i32
        %swap3A_909 = arith.constant 1 : i32
        %swap3A_910 = arith.index_cast %swap3A_909 : i32 to index
        %swap3A_911 = arith.index_cast %add3A_908 : i32 to index
        %swap3A_912 = arith.constant 112 : index
        %swap3A_913 = tpu.vector_load %arg9[%swap3A_910, %swap3A_911, %swap3A_912] {strides = array<i32>} : memref<2x64x128xf32, #tpu.memory_space<vmem>>, vector<16xf32>,
        tpu.vector_store %arg9[%swap3A_910, %swap3A_911, %swap3A_912], %gather3A_689 {strides = array<i32>} : memref<2x64x128xf32, #tpu.memory_space<vmem>>, vector<16xf32>,
      }
      %scan3A_289 = arith.constant 16 : i32
      %dma_start3A_290 = arith.constant 1 : i32
      %dma_start3A_291 = arith.constant 0 : i32
      %dma_start3A_292 = arith.constant 0 : i32
      %dma_start3A_293 = tpu.memref_slice %arg9[%dma_start3A_290, %dma_start3A_291, %dma_start3A_292] : memref<2x64x128xf32, #tpu.memory_space<vmem>> -> memref<1x64x128xf32, #tpu.memory_space<vmem>>
      %dma_start3A_294 = tpu.memref_squeeze %dma_start3A_293 : memref<1x64x128xf32, #tpu.memory_space<vmem>> -> memref<64x128xf32, #tpu.memory_space<vmem>>
      %dma_start3A_295 = arith.constant 0 : i32
      %dma_start3A_296 = tpu.memref_slice %arg4[%add3A_261, %dma_start3A_295, %mul3A_2] : memref<200x64x4096xf32, #tpu.memory_space<hbm>> -> memref<1x64x128xf32, #tpu.memory_space<hbm>>
      %dma_start3A_297 = tpu.memref_squeeze %dma_start3A_296 : memref<1x64x128xf32, #tpu.memory_space<hbm>> -> memref<64x128xf32, #tpu.memory_space<hbm>>
      %dma_start3A_298 = arith.constant 0 : i32
      %dma_start3A_299 = tpu.memref_slice %arg4[%add3A_261, %dma_start3A_298, %mul3A_2] : memref<200x64x4096xf32, #tpu.memory_space<hbm>> -> memref<1x64x128xf32, #tpu.memory_space<hbm>>
      %dma_start3A_300 = tpu.memref_squeeze %dma_start3A_299 : memref<1x64x128xf32, #tpu.memory_space<hbm>> -> memref<64x128xf32, #tpu.memory_space<hbm>>
      %dma_start3A_301 = arith.constant 0 : i32
      %dma_start3A_302 = arith.constant 0 : i32
      %dma_start3A_303 = tpu.memref_slice %arg9[%dma_start3A_290, %dma_start3A_301, %dma_start3A_302] : memref<2x64x128xf32, #tpu.memory_space<vmem>> -> memref<1x64x128xf32, #tpu.memory_space<vmem>>
      %dma_start3A_304 = tpu.memref_squeeze %dma_start3A_303 : memref<1x64x128xf32, #tpu.memory_space<vmem>> -> memref<64x128xf32, #tpu.memory_space<vmem>>
      tpu.enqueue_dma source(%dma_start3A_304 : memref<64x128xf32, #tpu.memory_space<vmem>>) target(%dma_start3A_300 : memref<64x128xf32, #tpu.memory_space<hbm>>) target_semaphore(%arg13 : memref<!tpu.dma_semaphore, #tpu.memory_space<semaphore_mem>>)
    }
    %scan3A_182 = arith.constant 100 : i32
    %dma_wait3A = arith.constant 0 : i32
    %dma_wait3A_183 = arith.constant 198 : i32
    %dma_wait3A_184 = arith.constant 0 : i32
    %dma_wait3A_185 = arith.constant 0 : i32
    %dma_wait3A_186 = tpu.memref_slice %arg9[%dma_wait3A, %dma_wait3A_184, %dma_wait3A_185] : memref<2x64x128xf32, #tpu.memory_space<vmem>> -> memref<1x64x128xf32, #tpu.memory_space<vmem>>
    %dma_wait3A_187 = tpu.memref_squeeze %dma_wait3A_186 : memref<1x64x128xf32, #tpu.memory_space<vmem>> -> memref<64x128xf32, #tpu.memory_space<vmem>>
    %dma_wait3A_188 = arith.constant 0 : i32
    %dma_wait3A_189 = tpu.memref_slice %arg4[%dma_wait3A_183, %dma_wait3A_188, %mul3A_2] : memref<200x64x4096xf32, #tpu.memory_space<hbm>> -> memref<1x64x128xf32, #tpu.memory_space<hbm>>
    %dma_wait3A_190 = tpu.memref_squeeze %dma_wait3A_189 : memref<1x64x128xf32, #tpu.memory_space<hbm>> -> memref<64x128xf32, #tpu.memory_space<hbm>>
    %dma_wait3A_191 = arith.constant 0 : i32
    %dma_wait3A_192 = tpu.memref_slice %arg4[%dma_wait3A_183, %dma_wait3A_191, %mul3A_2] : memref<200x64x4096xf32, #tpu.memory_space<hbm>> -> memref<1x64x128xf32, #tpu.memory_space<hbm>>
    %dma_wait3A_193 = tpu.memref_squeeze %dma_wait3A_192 : memref<1x64x128xf32, #tpu.memory_space<hbm>> -> memref<64x128xf32, #tpu.memory_space<hbm>>
    %dma_wait3A_194 = arith.constant 0 : i32
    %dma_wait3A_195 = arith.constant 0 : i32
    %dma_wait3A_196 = tpu.memref_slice %arg9[%dma_wait3A, %dma_wait3A_194, %dma_wait3A_195] : memref<2x64x128xf32, #tpu.memory_space<vmem>> -> memref<1x64x128xf32, #tpu.memory_space<vmem>>
    %dma_wait3A_197 = tpu.memref_squeeze %dma_wait3A_196 : memref<1x64x128xf32, #tpu.memory_space<vmem>> -> memref<64x128xf32, #tpu.memory_space<vmem>>
    tpu.wait_dma2 semaphore(%arg12 : memref<!tpu.dma_semaphore, #tpu.memory_space<semaphore_mem>>) src(%dma_wait3A_197 : memref<64x128xf32, #tpu.memory_space<vmem>>) dst(%dma_wait3A_193 : memref<64x128xf32, #tpu.memory_space<hbm>>)
    %dma_wait3A_198 = arith.constant 1 : i32
    %dma_wait3A_199 = arith.constant 199 : i32
    %dma_wait3A_200 = arith.constant 0 : i32
    %dma_wait3A_201 = arith.constant 0 : i32
    %dma_wait3A_202 = tpu.memref_slice %arg9[%dma_wait3A_198, %dma_wait3A_200, %dma_wait3A_201] : memref<2x64x128xf32, #tpu.memory_space<vmem>> -> memref<1x64x128xf32, #tpu.memory_space<vmem>>
    %dma_wait3A_203 = tpu.memref_squeeze %dma_wait3A_202 : memref<1x64x128xf32, #tpu.memory_space<vmem>> -> memref<64x128xf32, #tpu.memory_space<vmem>>
    %dma_wait3A_204 = arith.constant 0 : i32
    %dma_wait3A_205 = tpu.memref_slice %arg4[%dma_wait3A_199, %dma_wait3A_204, %mul3A_2] : memref<200x64x4096xf32, #tpu.memory_space<hbm>> -> memref<1x64x128xf32, #tpu.memory_space<hbm>>
    %dma_wait3A_206 = tpu.memref_squeeze %dma_wait3A_205 : memref<1x64x128xf32, #tpu.memory_space<hbm>> -> memref<64x128xf32, #tpu.memory_space<hbm>>
    %dma_wait3A_207 = arith.constant 0 : i32
    %dma_wait3A_208 = tpu.memref_slice %arg4[%dma_wait3A_199, %dma_wait3A_207, %mul3A_2] : memref<200x64x4096xf32, #tpu.memory_space<hbm>> -> memref<1x64x128xf32, #tpu.memory_space<hbm>>
    %dma_wait3A_209 = tpu.memref_squeeze %dma_wait3A_208 : memref<1x64x128xf32, #tpu.memory_space<hbm>> -> memref<64x128xf32, #tpu.memory_space<hbm>>
    %dma_wait3A_210 = arith.constant 0 : i32
    %dma_wait3A_211 = arith.constant 0 : i32
    %dma_wait3A_212 = tpu.memref_slice %arg9[%dma_wait3A_198, %dma_wait3A_210, %dma_wait3A_211] : memref<2x64x128xf32, #tpu.memory_space<vmem>> -> memref<1x64x128xf32, #tpu.memory_space<vmem>>
    %dma_wait3A_213 = tpu.memref_squeeze %dma_wait3A_212 : memref<1x64x128xf32, #tpu.memory_space<vmem>> -> memref<64x128xf32, #tpu.memory_space<vmem>>
    tpu.wait_dma2 semaphore(%arg13 : memref<!tpu.dma_semaphore, #tpu.memory_space<semaphore_mem>>) src(%dma_wait3A_213 : memref<64x128xf32, #tpu.memory_space<vmem>>) dst(%dma_wait3A_209 : memref<64x128xf32, #tpu.memory_space<hbm>>)
    return
  }
}

</mosaic_0001>

<sc_bundles>
// kernel: kernel.3.cloned.1.call-start
scs
__scs_entry_jumppad:
0x0: {  	(pc) =	sbr.rel $0x88, $3  }
0x1: {  	(tag) =	ssettag $0x0;
	lr =	simm.s32 $0x1  }
0x2: {  	[smem:$0x3F9F] =	sst lr;
	_ =	strace $0xD0000000  }
0x3: {  	_ = 	snop  }
0x4: {  	_ = 	snop  }
0x5: {  	_ = 	snop  }
0x6: {  	_ = 	snop  }
0x7: {  	_ = 	snop  }
__scs_overlays_trampoline_lowered:
0x8: {  	[smem:$0x3FAE] =	sst s0  }
0x9: {  	[smem:$0x3FAF] =	sst s1  }
0xa: {  	[smem:$0x3FB0] =	sst s2  }
0xb: {  	[smem:$0x3FB1] =	sst s3  }
0xc: {  	[smem:$0x3FB2] =	sst s4  }
0xd: {  	[smem:$0x3FB3] =	sst s5  }
0xe: {  	[smem:$0x3FB4] =	sst s6  }
0xf: {  	[smem:$0x3FB5] =	sst s7  }
0x10: {  	[smem:$0x3FB6] =	sst s8  }
0x11: {  	[smem:$0x3FB7] =	sst s9;
	s0 =	simm.s32 @!p0 $0x0  }
0x12: {  	s1 =	sld [smem:$0x3F9D];
	s0 =	simm.s32 @p0 $0x1  }
0x13: {  	[smem:$0x3FB8] =	sst s0;
	s0 =	simm.s32 @!p1 $0x0  }
0x14: {  	s2 =	sld [smem:$0x3F9C];
	s0 =	simm.s32 @p1 $0x1  }
0x15: {  	[smem:$0x3FB9] =	sst s0;
	s0 =	simm.s32 @!p2 $0x0  }
0x16: {  	s3 =	sld [smem:$0x3FDB];
	s0 =	simm.s32 @p2 $0x1  }
0x17: {  	s4 =	simm.s32 $0x1BF5;
	[smem:$0x3FBB] =	sst s0  }
0x18: {  	s0 =	sld [smem:$0x3F9E];
	_ =	swait.ge [sflag:s4], $0x0  }
0x19: {  	s7 =	sld [smem:$0x3F9F]  }
0x1a: {  	s8 =	sadd.s32 $0xFFFFE003, lr  }
0x1b: {  	s9 =	sadd.s32 $0xFFFFFEF7, lr;
	s5 =	simm.s32 $0xFFFFFFFF;
	p2 =	slt.u32 s8, $0xFFFFF086  }
0x1c: {  	p1 =	slt.u32 s9, $0xF7A;
	s5 =	simm.s32 @!p2 $0x0  }
0x1d: {  	s5 =	simm.s32 @p1 $0x1;
	p0 =	seq.s32 s7, s2  }
0x1e: {  	s7 =	smul.u32 @!p0 $0xF7A, s2;
	p2 =	seq.s32 @!p0 s5, $0x0  }
0x1f: {  	s9 =	smul.u32 $0xF7A, s1;
	s8 =	simm.s32 @!p0 $0x1BF5;
	p2 =	por !p2, p0  }
0x20: {  	[sflag:s8] =	ssyncset.s32 @!p0 $0xFFFFF086;
	s6 =	sadd.s32 @!p0 s3, s7;
	s7 =	simm.s32 @!p0 $0x108  }
0x21: {  	s3 =	sadd.s32 s3, s9;
	s6 =	sadd.s32 @!p0 $0x88, s6;
	s7 =	simm.s32 @p2 $0x1082  }
0x22: {  	[simem:s7], [sflag:s8] =	dma.local @!p0 [hbm:s6], $0xF7A  }
0x23: {  	s9 =	sor.u32 $0xD0000000, s2;
	s6 =	simm.s32 $0x108;
	_ =	swait.ge @!p0 [sflag:s8], $0x0  }
0x24: {  	s3 =	sadd.s32 $0x88, s3;
	s6 =	simm.s32 @!p1 $0x1082;
	[sflag:s4] =	ssyncset.s32 $0xFFFFF086  }
0x25: {  	[simem:s6], [sflag:s4] =	dma.local [hbm:s3], $0xF7A  }
0x26: {  	[smem:$0x3F9F] =	sst s1;
	(tag) =	ssettag s2;
	_ =	strace s9  }
0x27: {  	s1 =	sld [smem:$0x3FAF]  }
0x28: {  	s2 =	sld [smem:$0x3FB0]  }
0x29: {  	s4 =	sld [smem:$0x3FB2]  }
0x2a: {  	p0 =	seq.s32 s5, $0x0;
	s5 =	sld [smem:$0x3FB3]  }
0x2b: {  	s6 =	sld [smem:$0x3FB4]  }
0x2c: {  	s7 =	sld [smem:$0x3FB5]  }
0x2d: {  	s3 =	simm.s32 $0x108;
	s8 =	sld [smem:$0x3FB6]  }
0x2e: {  	s3 =	simm.s32 @!p0 $0x1082;
	s9 =	sld [smem:$0x3FB7]  }
0x2f: {  	lr =	sadd.s32 s0, s3;
	s0 =	sld [smem:$0x3FAE]  }
0x30: {  	s3 =	sld [smem:$0x3FB1]  }
0x31: {  	[smem:$0x3FBA] =	sst s10  }
0x32: {  	s10 =	sld [smem:$0x3FB8];
	_ =	sdelay $0x3  }
0x33: {  	p0 =	seq.s32 s10, $0x1;
	s10 =	sld [smem:$0x3FBA];
	_ =	sdelay $0x3  }
0x34: {  	[smem:$0x3FBA] =	sst s10  }
0x35: {  	s10 =	sld [smem:$0x3FB9];
	_ =	sdelay $0x3  }
0x36: {  	p1 =	seq.s32 s10, $0x1;
	s10 =	sld [smem:$0x3FBA];
	_ =	sdelay $0x3  }
0x37: {  	[smem:$0x3FBA] =	sst s10  }
0x38: {  	s10 =	sld [smem:$0x3FBB]  }
0x39: {  	_ = 	snop;
	(pc) =	sbr.ind lr, $3  }
0x3a: {  	_ = 	snop  }
0x3b: {  	_ = 	snop  }
0x3c: {  	p2 =	seq.s32 s10, $0x1;
	s10 =	sld [smem:$0x3FBA]  }
0x3d: {  	_ =	shalt  }
0x3e: {  	_ =	shalt  }
0x3f: {  	_ =	shalt  }
0x40: {  	_ =	shalt  }
0x41: {  	_ =	shalt  }
0x42: {  	_ =	shalt  }
0x43: {  	_ =	shalt  }
0x44: {  	_ =	shalt  }
0x45: {  	_ =	shalt  }
0x46: {  	_ =	shalt  }
0x47: {  	_ =	shalt  }
0x48: {  	_ =	shalt  }
0x49: {  	_ =	shalt  }
0x4a: {  	_ =	shalt  }
0x4b: {  	_ =	shalt  }
0x4c: {  	_ =	shalt  }
0x4d: {  	_ =	shalt  }
0x4e: {  	_ =	shalt  }
0x4f: {  	_ =	shalt  }
0x50: {  	_ =	shalt  }
0x51: {  	_ =	shalt  }
0x52: {  	_ =	shalt  }
0x53: {  	_ =	shalt  }
0x54: {  	_ =	shalt  }
0x55: {  	_ =	shalt  }
0x56: {  	_ =	shalt  }
0x57: {  	_ =	shalt  }
0x58: {  	_ =	shalt  }
0x59: {  	_ =	shalt  }
0x5a: {  	_ =	shalt  }
0x5b: {  	_ =	shalt  }
0x5c: {  	_ =	shalt  }
0x5d: {  	_ =	shalt  }
0x5e: {  	_ =	shalt  }
0x5f: {  	_ =	shalt  }
0x60: {  	_ =	shalt  }
0x61: {  	_ =	shalt  }
0x62: {  	_ =	shalt  }
0x63: {  	_ =	shalt  }
0x64: {  	_ =	shalt  }
0x65: {  	_ =	shalt  }
0x66: {  	_ =	shalt  }
0x67: {  	_ =	shalt  }
0x68: {  	_ =	shalt  }
0x69: {  	_ =	shalt  }
0x6a: {  	_ =	shalt  }
0x6b: {  	_ =	shalt  }
0x6c: {  	_ =	shalt  }
0x6d: {  	_ =	shalt  }
0x6e: {  	_ =	shalt  }
0x6f: {  	_ =	shalt  }
0x70: {  	_ =	shalt  }
0x71: {  	_ =	shalt  }
0x72: {  	_ =	shalt  }
0x73: {  	_ =	shalt  }
0x74: {  	_ =	shalt  }
0x75: {  	_ =	shalt  }
0x76: {  	_ =	shalt  }
0x77: {  	_ =	shalt  }
0x78: {  	_ =	shalt  }
0x79: {  	_ =	shalt  }
0x7a: {  	_ =	shalt  }
0x7b: {  	_ =	shalt  }
0x7c: {  	_ =	shalt  }
0x7d: {  	_ =	shalt  }
0x7e: {  	_ =	shalt  }
0x7f: {  	_ =	shalt  }
0x80: {  	_ =	shalt  }
0x81: {  	_ =	shalt  }
0x82: {  	_ =	shalt  }
0x83: {  	_ =	shalt  }
0x84: {  	_ =	shalt  }
0x85: {  	_ =	shalt  }
0x86: {  	_ =	shalt  }
0x87: {  	_ =	shalt  }
.Lfunc_end0:
.L_simem_size_0:
called_computation_lowered:
.L_overlay_start_0:
0x88: {  	s2 =	sld [smem:$0x3FD9]  }
0x89: {  	s3 =	sld [smem:$0x3FFE];
	_ =	sdelay $0x1  }
0x8a: {  	s1 =	srdreg.scid  }
0x8b: {  	s0 =	sand.u32 $0x1, s1  }
0x8c: {  	s17 =	sshll.u32 s0, $0xA;
	s2 =	sadd.s32 s3, s2  }
0x8d: {  	s2 =	sadd.s32 s2, s17  }
0x8e: {  	[smem:$0x3FC6] =	sst s2  }
0x8f: {  	_ = 	snop  }
0x90: {  	s2 =	sld [smem:$0x3FC9]  }
0x91: {  	s18 =	sld [smem:$0x3FD0];
	(tm) =	ssettm $0x1  }
0x92: {  	s4 =	sld [smem:$0x3FFB];
	_ =	sdelay $0x3  }
0x93: {  	_ =	strace s4  }
0x94: {  	s4 =	sld [smem:$0x3FFC];
	_ =	sdelay $0x3  }
0x95: {  	_ =	strace s4  }
0x96: {  	s4 =	sld [smem:$0x3FFD];
	_ =	sdelay $0x3  }
0x97: {  	_ =	strace s4  }
0x98: {  	_ =	strace $0x8FFFFFFF  }
0x99: {  	s19 =	sld [smem:$0x3FDB];
	_ =	sdelay $0x1  }
0x9a: {  	s5 =	simm.s32 $_scs_section_size  }
0x9b: {  	s6 =	simm.s32 $_size__tile_overlayer_lowered;
	s7 =	simm.s32 $_tile_overlayer_lowered  }
0x9c: {  	s22 =	simm.s32 $0x1BFF;
	s21 =	sshll.u32 s7, $0x1;
	s4 =	sadd.s32 s5, s19  }
0x9d: {  	s8 =	simm.s32 $0x0;
	s20 =	sshll.u32 s6, $0x1;
	s6 =	sadd.s32 s21, s4  }
0x9e: {  	[timem:s8], [sflag:s22] =	dma.local [hbm:s6], s20  }
0x9f: {  	_ =	swait.ge [sflag:s22], s20  }
0xa0: {  	s5 =	ssub.s32 $0x0, s20;
	[sflag:s22] =	ssyncset.done $0x0  }
0xa1: {  	[sflag:s22] =	ssyncadd.s32 s5;
	_ =	sdelay $0x1  }
0xa2: {  	s23 =	simm.s32 $0x1B8B  }
0xa3: {  	_ =	swait.ge [sflag:s23], $0x1  }
0xa4: {  	[sflag:s23] =	ssyncset.done $0x0  }
0xa5: {  	s25 =	simm.s32 $0x1B8E;
	s24 =	sld [smem:$0x3FFE];
	[sflag:s23] =	ssyncadd.s32 $0xFFFFFFFF  }
0xa6: {  	s26 =	simm.s32 $execute0_lowered;
	[smem:$0x3FD2] =	sst s25  }
0xa7: {  	s6 =	sshll.u32 s26, $0x1;
	_ =	strace $0x80000046;
	[dreg:$0x1] =	wrdreg $0xFFFFFFFF  }
0xa8: {  	s28 =	simm.s32 $_size_execute0_lowered;
	s4 =	sadd.s32 s4, s6;
	[dreg:$0x0] =	wrdreg $0x0  }
0xa9: {  	s6 =	sshll.u32 s28, $0x1;
	[dreg:$0x2] =	wrdreg s4  }
0xaa: {  	[dreg:$0x3] =	wrdreg s6  }
0xab: {  	[dreg:$0x4] =	wrdreg $0xC0  }
0xac: {  	_ =	task [dreg:s8], $0x5FFFF  }
0xad: {  	[dreg:$0x1] =	wrdreg $0xFFFFFFFF  }
0xae: {  	[dreg:$0x0] =	wrdreg $0x60  }
0xaf: {  	[dreg:$0x2] =	wrdreg s2  }
0xb0: {  	[dreg:$0x3] =	wrdreg s24  }
0xb1: {  	[dreg:$0x4] =	wrdreg s18  }
0xb2: {  	[dreg:$0x5] =	wrdreg $0x9  }
0xb3: {  	_ =	task.clear_ibuf [dreg:s8], $0x6FFFF;
	_ =	strace $0x90000046  }
0xb4: {  	s29 =	simm.s32 $0x9;
	_ =	strace $0x80000048  }
0xb5: {  	_ =	swait.ge [sflag:s29], $0x1  }
0xb6: {  	[sflag:s29] =	ssyncadd.s32 $0xFFFFFFFF  }
0xb7: {  	_ =	strace $0x90000048  }
0xb8: {  	_ =	sfence  }
0xb9: {  	s30 =	sld [smem:$0x0];
	_ =	sdelay $0x2  }
0xba: {  	s31 =	sshll.u32 s1, $0xD;
	s1 =	sshrl.u32 s1, $0x2  }
0xbb: {  	s3 =	sand.u32 $0x4000, s31;
	s1 =	sadd.s32 s1, s30  }
0xbc: {  	s0 =	sor.u32 s3, s0;
	s1 =	sshll.u32 s1, $0x11  }
0xbd: {  	s0 =	sor.u32 s1, s0  }
0xbe: {  	s0 =	sadd.s32 $0x8F2B, s0  }
0xbf: {  	[sflag:s0] =	ssyncadd.remote.s32 $0x1  }
0xc0: {  	_ =	sfence.sel $0xFFFF  }
0xc1: {  	[dreg:$0x0] =	wrdreg $0xFFFFFFFF;
	(pc) =	sbr.abs _section_cstart, $3  }
0xc2: {  	[dreg:$0x1] =	wrdreg $0xFFFFFFFF  }
0xc3: {  	_ =	task.clear_ibuf [dreg:s8], $0x2FFFF;
	_ =	strace $0x9FFFFFFF  }
0xc4: {  	(tm) =	ssettm $0x7FFFFFFF  }
0xc5: {  	_ =	shalt  }
tec
execute0_lowered:
.L_overlay_start_1:
0x0: {  	(tag) =	ssettag $0x1  }
0x1: {  	s6 =	rddreg [dreg:$0x0]  }
0x2: {  	s5 =	rddreg [dreg:$0x1]  }
0x3: {  	s2 =	rddreg [dreg:$0x2]  }
0x4: {  	s0 =	rddreg [dreg:$0x3];
	s4 =	srdreg.scid  }
0x5: {  	s3 =	simm.s32 $0x0;
	s1 =	stileid.u32;
	s10 =	simm.s32 $0x5  }
0x6: {  	s11 =	simm.s32 $0x80;
	s12 =	simm.s32 $0x6400;
	s13 =	simm.s32 $0x6600  }
0x7: {  	s14 =	simm.s32 $0x6480;
	s15 =	simm.s32 $0xA600;
	s16 =	simm.s32 $0x1  }
0x8: {  	s17 =	simm.s32 $0xE600;
	s18 =	simm.s32 $0x2;
	s19 =	simm.s32 $0x10600  }
0x9: {  	v0 =	vlaneseq.u32;
	s20 =	simm.s32 $0x3;
	s21 =	simm.s32 $0x4;
	s22 =	simm.s32 $0x0  }
0xa: {  	s4 =	sand.u32 $0x1, s4;
	s8 =	sshll.u32 s1, $0xB;
	[smem:$0x7FF] =	sst s3;
	v0 =	vmul.u32 $0x80, v0  }
0xb: {  	s5 =	sadd.s32 $0xF42800, s5;
	s7 =	ssub.s32 $0x2, s4;
	s4 =	sshll.u32 s4, $0xA  }
0xc: {  	_ =	strace $0x80000047;
	s9 =	sshrl.u32 s7, $0x1;
	s4 =	sor.u32 s4, s8;
	v1 =	vor.u32 $0x800, v0  }
0xd: {  	v2 =	vor.u32 $0x1000, v0;
	v3 =	vor.u32 $0x1800, v0;
	v4 =	vor.u32 $0x2000, v0;
	s7 =	ssub.s32 s7, s9;
	s8 =	sshrl.u32 s4, $0x3;
	s9 =	simm.s32 $0x8000  }
0xe: {  	v5 =	vor.u32 $0x2800, v0;
	v6 =	vor.u32 $0x3000, v0;
	v7 =	vor.u32 $0x3800, v0;
	s6 =	sadd.s32 s6, s8;
	s7 =	smax.u32 s7, $0x1;
	s8 =	simm.s32 $0x400  }
.LBB2_1:
0xf: {  	[tilespmem:s3], [sflag:$0x5] =	stream.strided.gather [hbm4b:s6+s8], $0x6400, s9, s8, $0x38;
	[tilespmem:$0x12600] =	vst v63  }
0x10: {  	_ =	swait.ge [sflag:s10], $0x6400  }
0x11: {  	[sflag:s10] =	ssyncset.done $0x0  }
0x12: {  	[sflag:s10] =	ssyncadd.s32 $0xFFFF9C00  }
0x13: {  	v8 =	vld [tilespmem:$0x0];
	_ =	sdelay $0x1  }
0x14: {  	v9 =	vld [tilespmem:$0x10];
	_ =	sdelay $0x1  }
0x15: {  	v10 =	vld [tilespmem:$0x20]  }
0x16: {  	v11 =	vshrl.u32 v8, $0x1;
	v8 =	vshll.u32 v8, $0x6  }
0x17: {  	v58 =	vld [tilespmem:$0x30];
	[tilespmem:$0x6400] =	vst v11;
	v8 =	vand.u32 $0x40, v8  }
0x18: {  	[tilespmem:$0x6500] =	vst v8;
	v8 =	vshrl.u32 v9, $0x1;
	v9 =	vshll.u32 v9, $0x6  }
0x19: {  	v59 =	vld [tilespmem:$0x40];
	[tilespmem:$0x6410] =	vst v8;
	v8 =	vand.u32 $0x40, v9  }
0x1a: {  	[tilespmem:$0x6510] =	vst v8;
	v8 =	vshrl.u32 v10, $0x1;
	v10 =	vshll.u32 v10, $0x6  }
0x1b: {  	v60 =	vld [tilespmem:$0x50];
	[tilespmem:$0x6420] =	vst v8;
	v8 =	vand.u32 $0x40, v10  }
0x1c: {  	v11 =	vshll.u32 v58, $0x6;
	[tilespmem:$0x6520] =	vst v8;
	v8 =	vshrl.u32 v58, $0x1  }
0x1d: {  	v61 =	vld [tilespmem:$0x60];
	[tilespmem:$0x6430] =	vst v8;
	v8 =	vand.u32 $0x40, v11  }
0x1e: {  	v9 =	vshll.u32 v59, $0x6;
	[tilespmem:$0x6530] =	vst v8;
	v8 =	vshrl.u32 v59, $0x1  }
0x1f: {  	v62 =	vld [tilespmem:$0x70];
	[tilespmem:$0x6440] =	vst v8;
	v8 =	vand.u32 $0x40, v9  }
0x20: {  	v10 =	vshll.u32 v60, $0x6;
	[tilespmem:$0x6540] =	vst v8;
	v8 =	vshrl.u32 v60, $0x1  }
0x21: {  	[tilespmem:$0x6450] =	vst v8;
	v8 =	vand.u32 $0x40, v10  }
0x22: {  	v63 =	vshll.u32 v61, $0x6;
	[tilespmem:$0x6550] =	vst v8;
	v8 =	vshrl.u32 v61, $0x1  }
0x23: {  	[tilespmem:$0x6460] =	vst v8;
	v8 =	vand.u32 $0x40, v63  }
0x24: {  	v9 =	vshll.u32 v62, $0x6;
	[tilespmem:$0x6560] =	vst v8;
	v8 =	vshrl.u32 v62, $0x1  }
0x25: {  	[tilespmem:$0x6470] =	vst v8;
	v8 =	vand.u32 $0x40, v9  }
0x26: {  	s23 =	simm.s32 $0x0;
	[tilespmem:$0x6570] =	vst v8  }
0x27: {  	[tilespmem:s13], [sflag:$0x1] =	stream.indirect.gather [hbm4b:s5+s11], $0x80, s12, s11, $0xb8;
	[tilespmem:$0x12600] =	vst v63  }
.LBB2_2:
0x28: {  	s24 =	sshll.u32 s23, $0x8  }
0x29: {  	s24 =	sand.u32 $0x3FFFFF00, s24  }
0x2a: {  	v8 =	vld [tilespmem:s24+$0x80];
	_ =	sdelay $0x4  }
0x2b: {  	v9 =	vshrl.u32 v8, $0x1;
	v8 =	vshll.u32 v8, $0x6  }
0x2c: {  	[tilespmem:$0x6480] =	vst v9;
	v8 =	vand.u32 $0x40, v8  }
0x2d: {  	[tilespmem:$0x6580] =	vst v8  }
0x2e: {  	v8 =	vld [tilespmem:s24+$0x90];
	_ =	sdelay $0x4  }
0x2f: {  	v57 =	vshrl.u32 v8, $0x1;
	v8 =	vshll.u32 v8, $0x6  }
0x30: {  	[tilespmem:$0x6490] =	vst v57;
	v8 =	vand.u32 $0x40, v8  }
0x31: {  	[tilespmem:$0x6590] =	vst v8  }
0x32: {  	v8 =	vld [tilespmem:s24+$0xA0];
	_ =	sdelay $0x4  }
0x33: {  	v58 =	vshrl.u32 v8, $0x1;
	v8 =	vshll.u32 v8, $0x6  }
0x34: {  	[tilespmem:$0x64A0] =	vst v58;
	v8 =	vand.u32 $0x40, v8  }
0x35: {  	[tilespmem:$0x65A0] =	vst v8  }
0x36: {  	v8 =	vld [tilespmem:s24+$0xB0];
	_ =	sdelay $0x4  }
0x37: {  	v59 =	vshrl.u32 v8, $0x1;
	v8 =	vshll.u32 v8, $0x6  }
0x38: {  	[tilespmem:$0x64B0] =	vst v59;
	v8 =	vand.u32 $0x40, v8  }
0x39: {  	[tilespmem:$0x65B0] =	vst v8  }
0x3a: {  	v8 =	vld [tilespmem:s24+$0xC0];
	_ =	sdelay $0x4  }
0x3b: {  	v60 =	vshrl.u32 v8, $0x1;
	v8 =	vshll.u32 v8, $0x6  }
0x3c: {  	[tilespmem:$0x64C0] =	vst v60;
	v8 =	vand.u32 $0x40, v8  }
0x3d: {  	[tilespmem:$0x65C0] =	vst v8  }
0x3e: {  	v8 =	vld [tilespmem:s24+$0xD0];
	_ =	sdelay $0x4  }
0x3f: {  	v61 =	vshrl.u32 v8, $0x1;
	v8 =	vshll.u32 v8, $0x6  }
0x40: {  	[tilespmem:$0x64D0] =	vst v61;
	v8 =	vand.u32 $0x40, v8  }
0x41: {  	[tilespmem:$0x65D0] =	vst v8  }
0x42: {  	v8 =	vld [tilespmem:s24+$0xE0];
	_ =	sdelay $0x4  }
0x43: {  	v62 =	vshrl.u32 v8, $0x1;
	v8 =	vshll.u32 v8, $0x6  }
0x44: {  	[tilespmem:$0x64E0] =	vst v62;
	v8 =	vand.u32 $0x40, v8  }
0x45: {  	[tilespmem:$0x65E0] =	vst v8  }
0x46: {  	v8 =	vld [tilespmem:s24+$0xF0];
	_ =	sdelay $0x4  }
0x47: {  	v63 =	vshrl.u32 v8, $0x1;
	v8 =	vshll.u32 v8, $0x6  }
0x48: {  	[tilespmem:$0x64F0] =	vst v63;
	v8 =	vand.u32 $0x40, v8  }
0x49: {  	[tilespmem:$0x65F0] =	vst v8  }
0x4a: {  	[tilespmem:s15], [sflag:$0x2] =	stream.indirect.gather [hbm4b:s5+s11], $0x80, s14, s11, $0xb8;
	[tilespmem:$0x12600] =	vst v63  }
0x4b: {  	_ =	swait.ge [sflag:s16], $0x4000  }
0x4c: {  	p0 =	seq.s32 s23, $0x0;
	[sflag:s16] =	ssyncset.done $0x0  }
0x4d: {  	s26 =	simm.s32 @!p0 $0x3;
	[sflag:s16] =	ssyncadd.s32 $0xFFFFC000  }
0x4e: {  	_ =	swait.ge @!p0 [sflag:s26], $0x2000  }
0x4f: {  	s25 =	sshll.u32 s23, $0x1;
	[sflag:s26] =	ssyncset.done @!p0 $0x0  }
0x50: {  	s28 =	simm.s32 $0xE700;
	[sflag:s26] =	ssyncadd.s32 @!p0 $0xFFFFE000;
	s26 =	simm.s32 $0x0  }
.LBB2_3:
0x51: {  	v8 =	vld [tilespmem:$0x6500];
	_ =	sdelay $0x3  }
0x52: {  	v10 =	vld [tilespmem:$0x6510]  }
0x53: {  	s29 =	sadd.s32 $0x1, s26;
	v14 =	vld [tilespmem:$0x6520];
	v9 =	vadd.s32 s26, v8  }
0x54: {  	s30 =	sadd.s32 $0x2, s26;
	v18 =	vld [tilespmem:$0x6530];
	v11 =	vadd.s32 s29, v8;
	v9 =	vadd.s32 v0, v9  }
0x55: {  	s31 =	sadd.s32 $0x3, s26;
	v22 =	vld [tilespmem:$0x6540];
	v12 =	vadd.s32 s30, v8;
	v11 =	vadd.s32 v0, v11  }
0x56: {  	v26 =	vld [tilespmem:$0x6550];
	v8 =	vadd.s32 s31, v8;
	v12 =	vadd.s32 v0, v12  }
0x57: {  	v29 =	vld [tilespmem:$0x6560];
	v13 =	vadd.s32 s26, v10;
	v8 =	vadd.s32 v0, v8  }
0x58: {  	v33 =	vld [tilespmem:$0x6570];
	v15 =	vadd.s32 s29, v10;
	v13 =	vadd.s32 v1, v13  }
0x59: {  	v16 =	vadd.s32 s30, v10;
	v15 =	vadd.s32 v1, v15;
	v9 =	vld.idx.msk [tilespmem:v9+s13+$0x0], $0xffff  }
0x5a: {  	v10 =	vadd.s32 s31, v10;
	v16 =	vadd.s32 v1, v16;
	v11 =	vld.idx.msk [tilespmem:v11+s13+$0x0], $0xffff  }
0x5b: {  	v17 =	vadd.s32 s26, v14;
	v10 =	vadd.s32 v1, v10;
	v12 =	vld.idx.msk [tilespmem:v12+s13+$0x0], $0xffff  }
0x5c: {  	v19 =	vadd.s32 s29, v14;
	v17 =	vadd.s32 v2, v17;
	v8 =	vld.idx.msk [tilespmem:v8+s13+$0x0], $0xffff  }
0x5d: {  	v20 =	vadd.s32 s30, v14;
	v19 =	vadd.s32 v2, v19;
	v13 =	vld.idx.msk [tilespmem:v13+s13+$0x0], $0xffff  }
0x5e: {  	v14 =	vadd.s32 s31, v14;
	v20 =	vadd.s32 v2, v20;
	v15 =	vld.idx.msk [tilespmem:v15+s13+$0x0], $0xffff  }
0x5f: {  	v21 =	vadd.s32 s26, v18;
	v14 =	vadd.s32 v2, v14;
	v16 =	vld.idx.msk [tilespmem:v16+s13+$0x0], $0xffff  }
0x60: {  	v23 =	vadd.s32 s29, v18;
	v21 =	vadd.s32 v3, v21;
	v10 =	vld.idx.msk [tilespmem:v10+s13+$0x0], $0xffff  }
0x61: {  	v24 =	vadd.s32 s30, v18;
	v23 =	vadd.s32 v3, v23;
	v17 =	vld.idx.msk [tilespmem:v17+s13+$0x0], $0xffff  }
0x62: {  	v18 =	vadd.s32 s31, v18;
	v24 =	vadd.s32 v3, v24;
	v19 =	vld.idx.msk [tilespmem:v19+s13+$0x0], $0xffff  }
0x63: {  	v25 =	vadd.s32 s26, v22;
	v18 =	vadd.s32 v3, v18;
	v20 =	vld.idx.msk [tilespmem:v20+s13+$0x0], $0xffff  }
0x64: {  	v27 =	vadd.s32 s29, v22;
	v25 =	vadd.s32 v4, v25;
	v14 =	vld.idx.msk [tilespmem:v14+s13+$0x0], $0xffff  }
0x65: {  	v28 =	vadd.s32 s30, v22;
	v27 =	vadd.s32 v4, v27;
	v21 =	vld.idx.msk [tilespmem:v21+s13+$0x0], $0xffff  }
0x66: {  	v22 =	vadd.s32 s31, v22;
	v28 =	vadd.s32 v4, v28;
	v23 =	vld.idx.msk [tilespmem:v23+s13+$0x0], $0xffff  }
0x67: {  	v30 =	vadd.s32 s26, v26;
	v22 =	vadd.s32 v4, v22;
	v24 =	vld.idx.msk [tilespmem:v24+s13+$0x0], $0xffff  }
0x68: {  	v31 =	vadd.s32 s29, v26;
	v30 =	vadd.s32 v5, v30;
	v18 =	vld.idx.msk [tilespmem:v18+s13+$0x0], $0xffff  }
0x69: {  	v32 =	vadd.s32 s30, v26;
	v31 =	vadd.s32 v5, v31;
	v25 =	vld.idx.msk [tilespmem:v25+s13+$0x0], $0xffff  }
0x6a: {  	v26 =	vadd.s32 s31, v26;
	v32 =	vadd.s32 v5, v32;
	v27 =	vld.idx.msk [tilespmem:v27+s13+$0x0], $0xffff  }
0x6b: {  	v34 =	vadd.s32 s26, v29;
	v26 =	vadd.s32 v5, v26;
	v28 =	vld.idx.msk [tilespmem:v28+s13+$0x0], $0xffff  }
0x6c: {  	v35 =	vadd.s32 s29, v29;
	v34 =	vadd.s32 v6, v34;
	v22 =	vld.idx.msk [tilespmem:v22+s13+$0x0], $0xffff  }
0x6d: {  	v36 =	vadd.s32 s30, v29;
	v35 =	vadd.s32 v6, v35;
	v30 =	vld.idx.msk [tilespmem:v30+s13+$0x0], $0xffff  }
0x6e: {  	v29 =	vadd.s32 s31, v29;
	v36 =	vadd.s32 v6, v36;
	v31 =	vld.idx.msk [tilespmem:v31+s13+$0x0], $0xffff  }
0x6f: {  	v37 =	vadd.s32 s26, v33;
	v29 =	vadd.s32 v6, v29;
	v32 =	vld.idx.msk [tilespmem:v32+s13+$0x0], $0xffff  }
0x70: {  	v38 =	vadd.s32 s29, v33;
	v37 =	vadd.s32 v7, v37;
	v26 =	vld.idx.msk [tilespmem:v26+s13+$0x0], $0xffff  }
0x71: {  	v39 =	vadd.s32 s30, v33;
	v38 =	vadd.s32 v7, v38;
	v34 =	vld.idx.msk [tilespmem:v34+s13+$0x0], $0xffff  }
0x72: {  	v33 =	vadd.s32 s31, v33;
	v39 =	vadd.s32 v7, v39;
	v35 =	vld.idx.msk [tilespmem:v35+s13+$0x0], $0xffff  }
0x73: {  	v33 =	vadd.s32 v7, v33;
	v36 =	vld.idx.msk [tilespmem:v36+s13+$0x0], $0xffff  }
0x74: {  	v29 =	vld.idx.msk [tilespmem:v29+s13+$0x0], $0xffff  }
0x75: {  	v37 =	vld.idx.msk [tilespmem:v37+s13+$0x0], $0xffff  }
0x76: {  	v38 =	vld.idx.msk [tilespmem:v38+s13+$0x0], $0xffff  }
0x77: {  	v39 =	vld.idx.msk [tilespmem:v39+s13+$0x0], $0xffff  }
0x78: {  	v33 =	vld.idx.msk [tilespmem:v33+s13+$0x0], $0xffff;
	[tilespmem:s28+$0xFFFFFF00] =	vst v9  }
0x79: {  	[tilespmem:s28+$0xFFFFFF80] =	vst v11  }
0x7a: {  	[tilespmem:s28+$0x0] =	vst v12  }
0x7b: {  	[tilespmem:s28+$0x80] =	vst v8  }
0x7c: {  	[tilespmem:s28+$0xFFFFFF10] =	vst v13  }
0x7d: {  	[tilespmem:s28+$0xFFFFFF90] =	vst v15  }
0x7e: {  	[tilespmem:s28+$0x10] =	vst v16  }
0x7f: {  	[tilespmem:s28+$0x90] =	vst v10  }
0x80: {  	[tilespmem:s28+$0xFFFFFF20] =	vst v17  }
0x81: {  	[tilespmem:s28+$0xFFFFFFA0] =	vst v19  }
0x82: {  	[tilespmem:s28+$0x20] =	vst v20  }
0x83: {  	[tilespmem:s28+$0xA0] =	vst v14  }
0x84: {  	[tilespmem:s28+$0xFFFFFF30] =	vst v21  }
0x85: {  	[tilespmem:s28+$0xFFFFFFB0] =	vst v23  }
0x86: {  	[tilespmem:s28+$0x30] =	vst v24  }
0x87: {  	[tilespmem:s28+$0xB0] =	vst v18  }
0x88: {  	[tilespmem:s28+$0xFFFFFF40] =	vst v25  }
0x89: {  	[tilespmem:s28+$0xFFFFFFC0] =	vst v27  }
0x8a: {  	[tilespmem:s28+$0x40] =	vst v28  }
0x8b: {  	[tilespmem:s28+$0xC0] =	vst v22  }
0x8c: {  	[tilespmem:s28+$0xFFFFFF50] =	vst v30  }
0x8d: {  	[tilespmem:s28+$0xFFFFFFD0] =	vst v31  }
0x8e: {  	[tilespmem:s28+$0x50] =	vst v32  }
0x8f: {  	[tilespmem:s28+$0xD0] =	vst v26  }
0x90: {  	[tilespmem:s28+$0xFFFFFF60] =	vst v34  }
0x91: {  	[tilespmem:s28+$0xFFFFFFE0] =	vst v35  }
0x92: {  	p1 =	sne.s32 s26, $0x3C;
	[tilespmem:s28+$0x60] =	vst v36  }
.Ltmp0:
0x93: {  	[tilespmem:s28+$0xE0] =	vst v29;
	(pc) =	sbr.rel @p1 .LBB2_3-.Ltmp0, $4  }
0x94: {  	[tilespmem:s28+$0xFFFFFF70] =	vst v37  }
0x95: {  	[tilespmem:s28+$0xFFFFFFF0] =	vst v38  }
0x96: {  	[tilespmem:s28+$0x70] =	vst v39  }
0x97: {  	s26 =	sadd.s32 $0x4, s26;
	[tilespmem:s28+$0xF0] =	vst v33;
	s28 =	sadd.s32 $0x200, s28  }
0x98: {  	s26 =	sshll.u32 s23, $0x13  }
0x99: {  	s26 =	sor.u32 s4, s26  }
0x9a: {  	s25 =	sor.u32 $0x1, s25;
	s26 =	sshrl.u32 s26, $0x3  }
0x9b: {  	p1 =	sgt.u32 s25, $0xC6;
	s26 =	sadd.s32 s2, s26  }
0x9c: {  	[hbm4b:s26+s8] =	stream.strided.scatter [tilespmem:s17], [sflag:$0x3], $0x2000, s9, s8, $0x38;
	[tilespmem:$0x12600] =	vst v63  }
0x9d: {  	v8 =	vld @!p1 [tilespmem:s24+$0x100];
	_ =	sdelay $0x4  }
0x9e: {  	v9 =	vshrl.u32 @!p1 v8, $0x1;
	v8 =	vshll.u32 @!p1 v8, $0x6  }
0x9f: {  	[tilespmem:$0x6400] =	vst @!p1 v9;
	v8 =	vand.u32 @!p1 $0x40, v8  }
0xa0: {  	[tilespmem:$0x6500] =	vst @!p1 v8  }
0xa1: {  	v8 =	vld @!p1 [tilespmem:s24+$0x110];
	_ =	sdelay $0x4  }
0xa2: {  	v9 =	vshrl.u32 @!p1 v8, $0x1;
	v8 =	vshll.u32 @!p1 v8, $0x6  }
0xa3: {  	[tilespmem:$0x6410] =	vst @!p1 v9;
	v8 =	vand.u32 @!p1 $0x40, v8  }
0xa4: {  	[tilespmem:$0x6510] =	vst @!p1 v8  }
0xa5: {  	v8 =	vld @!p1 [tilespmem:s24+$0x120];
	_ =	sdelay $0x4  }
0xa6: {  	v9 =	vshrl.u32 @!p1 v8, $0x1;
	v8 =	vshll.u32 @!p1 v8, $0x6  }
0xa7: {  	[tilespmem:$0x6420] =	vst @!p1 v9;
	v8 =	vand.u32 @!p1 $0x40, v8  }
0xa8: {  	[tilespmem:$0x6520] =	vst @!p1 v8  }
0xa9: {  	v8 =	vld @!p1 [tilespmem:s24+$0x130];
	_ =	sdelay $0x4  }
0xaa: {  	v9 =	vshrl.u32 @!p1 v8, $0x1;
	v8 =	vshll.u32 @!p1 v8, $0x6  }
0xab: {  	[tilespmem:$0x6430] =	vst @!p1 v9;
	v8 =	vand.u32 @!p1 $0x40, v8  }
0xac: {  	[tilespmem:$0x6530] =	vst @!p1 v8  }
0xad: {  	v8 =	vld @!p1 [tilespmem:s24+$0x140];
	_ =	sdelay $0x4  }
0xae: {  	v9 =	vshrl.u32 @!p1 v8, $0x1;
	v8 =	vshll.u32 @!p1 v8, $0x6  }
0xaf: {  	[tilespmem:$0x6440] =	vst @!p1 v9;
	v8 =	vand.u32 @!p1 $0x40, v8  }
0xb0: {  	[tilespmem:$0x6540] =	vst @!p1 v8  }
0xb1: {  	v8 =	vld @!p1 [tilespmem:s24+$0x150];
	_ =	sdelay $0x4  }
0xb2: {  	v9 =	vshrl.u32 @!p1 v8, $0x1;
	v8 =	vshll.u32 @!p1 v8, $0x6  }
0xb3: {  	[tilespmem:$0x6450] =	vst @!p1 v9;
	v8 =	vand.u32 @!p1 $0x40, v8  }
0xb4: {  	[tilespmem:$0x6550] =	vst @!p1 v8  }
0xb5: {  	v8 =	vld @!p1 [tilespmem:s24+$0x160];
	_ =	sdelay $0x4  }
0xb6: {  	v9 =	vshrl.u32 @!p1 v8, $0x1;
	v8 =	vshll.u32 @!p1 v8, $0x6  }
0xb7: {  	[tilespmem:$0x6460] =	vst @!p1 v9;
	v8 =	vand.u32 @!p1 $0x40, v8  }
0xb8: {  	[tilespmem:$0x6560] =	vst @!p1 v8  }
0xb9: {  	v8 =	vld @!p1 [tilespmem:s24+$0x170];
	_ =	sdelay $0x4  }
0xba: {  	v9 =	vshrl.u32 @!p1 v8, $0x1;
	v8 =	vshll.u32 @!p1 v8, $0x6  }
0xbb: {  	[tilespmem:$0x6470] =	vst @!p1 v9;
	v8 =	vand.u32 @!p1 $0x40, v8  }
0xbc: {  	s28 =	simm.s32 @!p1 $0x6600;
	s26 =	simm.s32 @!p1 $0x6400;
	s24 =	simm.s32 @!p1 $0x80;
	[tilespmem:$0x6570] =	vst @!p1 v8  }
0xbd: {  	[tilespmem:s28], [sflag:$0x1] =	stream.indirect.gather @!p1 [hbm4b:s5+s24], $0x80, s26, s24, $0xb8;
	[tilespmem:$0x12600] =	vst v63  }
0xbe: {  	_ =	swait.ge [sflag:s18], $0x4000  }
0xbf: {  	[sflag:s18] =	ssyncset.done $0x0  }
0xc0: {  	s24 =	simm.s32 @!p0 $0x4;
	[sflag:s18] =	ssyncadd.s32 $0xFFFFC000  }
0xc1: {  	_ =	swait.ge @!p0 [sflag:s24], $0x2000  }
0xc2: {  	[sflag:s24] =	ssyncset.done @!p0 $0x0  }
0xc3: {  	s26 =	simm.s32 $0x107F0;
	[sflag:s24] =	ssyncadd.s32 @!p0 $0xFFFFE000;
	s24 =	simm.s32 $0x0  }
.LBB2_5:
0xc4: {  	v8 =	vld [tilespmem:$0x6580];
	_ =	sdelay $0x3  }
0xc5: {  	v10 =	vld [tilespmem:$0x6590]  }
0xc6: {  	s28 =	sadd.s32 $0x1, s24;
	v14 =	vld [tilespmem:$0x65A0];
	v9 =	vadd.s32 s24, v8  }
0xc7: {  	s29 =	sadd.s32 $0x2, s24;
	v18 =	vld [tilespmem:$0x65B0];
	v11 =	vadd.s32 s28, v8;
	v9 =	vadd.s32 v0, v9  }
0xc8: {  	s30 =	sadd.s32 $0x3, s24;
	v22 =	vld [tilespmem:$0x65C0];
	v12 =	vadd.s32 s29, v8;
	v11 =	vadd.s32 v0, v11  }
0xc9: {  	v26 =	vld [tilespmem:$0x65D0];
	v8 =	vadd.s32 s30, v8;
	v12 =	vadd.s32 v0, v12  }
0xca: {  	v29 =	vld [tilespmem:$0x65E0];
	v13 =	vadd.s32 s24, v10;
	v8 =	vadd.s32 v0, v8  }
0xcb: {  	v33 =	vld [tilespmem:$0x65F0];
	v15 =	vadd.s32 s28, v10;
	v13 =	vadd.s32 v1, v13  }
0xcc: {  	v16 =	vadd.s32 s29, v10;
	v15 =	vadd.s32 v1, v15;
	v9 =	vld.idx.msk [tilespmem:v9+s15+$0x0], $0xffff  }
0xcd: {  	v10 =	vadd.s32 s30, v10;
	v16 =	vadd.s32 v1, v16;
	v11 =	vld.idx.msk [tilespmem:v11+s15+$0x0], $0xffff  }
0xce: {  	v17 =	vadd.s32 s24, v14;
	v10 =	vadd.s32 v1, v10;
	v12 =	vld.idx.msk [tilespmem:v12+s15+$0x0], $0xffff  }
0xcf: {  	v19 =	vadd.s32 s28, v14;
	v17 =	vadd.s32 v2, v17;
	v8 =	vld.idx.msk [tilespmem:v8+s15+$0x0], $0xffff  }
0xd0: {  	v20 =	vadd.s32 s29, v14;
	v19 =	vadd.s32 v2, v19;
	v13 =	vld.idx.msk [tilespmem:v13+s15+$0x0], $0xffff  }
0xd1: {  	v14 =	vadd.s32 s30, v14;
	v20 =	vadd.s32 v2, v20;
	v15 =	vld.idx.msk [tilespmem:v15+s15+$0x0], $0xffff  }
0xd2: {  	v21 =	vadd.s32 s24, v18;
	v14 =	vadd.s32 v2, v14;
	v16 =	vld.idx.msk [tilespmem:v16+s15+$0x0], $0xffff  }
0xd3: {  	v23 =	vadd.s32 s28, v18;
	v21 =	vadd.s32 v3, v21;
	v10 =	vld.idx.msk [tilespmem:v10+s15+$0x0], $0xffff  }
0xd4: {  	v24 =	vadd.s32 s29, v18;
	v23 =	vadd.s32 v3, v23;
	v17 =	vld.idx.msk [tilespmem:v17+s15+$0x0], $0xffff  }
0xd5: {  	v18 =	vadd.s32 s30, v18;
	v24 =	vadd.s32 v3, v24;
	v19 =	vld.idx.msk [tilespmem:v19+s15+$0x0], $0xffff  }
0xd6: {  	v25 =	vadd.s32 s24, v22;
	v18 =	vadd.s32 v3, v18;
	v20 =	vld.idx.msk [tilespmem:v20+s15+$0x0], $0xffff  }
0xd7: {  	v27 =	vadd.s32 s28, v22;
	v25 =	vadd.s32 v4, v25;
	v14 =	vld.idx.msk [tilespmem:v14+s15+$0x0], $0xffff  }
0xd8: {  	v28 =	vadd.s32 s29, v22;
	v27 =	vadd.s32 v4, v27;
	v21 =	vld.idx.msk [tilespmem:v21+s15+$0x0], $0xffff  }
0xd9: {  	v22 =	vadd.s32 s30, v22;
	v28 =	vadd.s32 v4, v28;
	v23 =	vld.idx.msk [tilespmem:v23+s15+$0x0], $0xffff  }
0xda: {  	v30 =	vadd.s32 s24, v26;
	v22 =	vadd.s32 v4, v22;
	v24 =	vld.idx.msk [tilespmem:v24+s15+$0x0], $0xffff  }
0xdb: {  	v31 =	vadd.s32 s28, v26;
	v30 =	vadd.s32 v5, v30;
	v18 =	vld.idx.msk [tilespmem:v18+s15+$0x0], $0xffff  }
0xdc: {  	v32 =	vadd.s32 s29, v26;
	v31 =	vadd.s32 v5, v31;
	v25 =	vld.idx.msk [tilespmem:v25+s15+$0x0], $0xffff  }
0xdd: {  	v26 =	vadd.s32 s30, v26;
	v32 =	vadd.s32 v5, v32;
	v27 =	vld.idx.msk [tilespmem:v27+s15+$0x0], $0xffff  }
0xde: {  	v34 =	vadd.s32 s24, v29;
	v26 =	vadd.s32 v5, v26;
	v28 =	vld.idx.msk [tilespmem:v28+s15+$0x0], $0xffff  }
0xdf: {  	v35 =	vadd.s32 s28, v29;
	v34 =	vadd.s32 v6, v34;
	v22 =	vld.idx.msk [tilespmem:v22+s15+$0x0], $0xffff  }
0xe0: {  	v36 =	vadd.s32 s29, v29;
	v35 =	vadd.s32 v6, v35;
	v30 =	vld.idx.msk [tilespmem:v30+s15+$0x0], $0xffff  }
0xe1: {  	v29 =	vadd.s32 s30, v29;
	v36 =	vadd.s32 v6, v36;
	v31 =	vld.idx.msk [tilespmem:v31+s15+$0x0], $0xffff  }
0xe2: {  	v37 =	vadd.s32 s24, v33;
	v29 =	vadd.s32 v6, v29;
	v32 =	vld.idx.msk [tilespmem:v32+s15+$0x0], $0xffff  }
0xe3: {  	v38 =	vadd.s32 s28, v33;
	v37 =	vadd.s32 v7, v37;
	v26 =	vld.idx.msk [tilespmem:v26+s15+$0x0], $0xffff  }
0xe4: {  	v39 =	vadd.s32 s29, v33;
	v38 =	vadd.s32 v7, v38;
	v34 =	vld.idx.msk [tilespmem:v34+s15+$0x0], $0xffff  }
0xe5: {  	v33 =	vadd.s32 s30, v33;
	v39 =	vadd.s32 v7, v39;
	v35 =	vld.idx.msk [tilespmem:v35+s15+$0x0], $0xffff  }
0xe6: {  	v33 =	vadd.s32 v7, v33;
	v36 =	vld.idx.msk [tilespmem:v36+s15+$0x0], $0xffff  }
0xe7: {  	v29 =	vld.idx.msk [tilespmem:v29+s15+$0x0], $0xffff  }
0xe8: {  	v37 =	vld.idx.msk [tilespmem:v37+s15+$0x0], $0xffff  }
0xe9: {  	v38 =	vld.idx.msk [tilespmem:v38+s15+$0x0], $0xffff  }
0xea: {  	v39 =	vld.idx.msk [tilespmem:v39+s15+$0x0], $0xffff  }
0xeb: {  	v33 =	vld.idx.msk [tilespmem:v33+s15+$0x0], $0xffff;
	[tilespmem:s26+$0xFFFFFE10] =	vst v9  }
0xec: {  	[tilespmem:s26+$0xFFFFFE90] =	vst v11  }
0xed: {  	[tilespmem:s26+$0xFFFFFF10] =	vst v12  }
0xee: {  	[tilespmem:s26+$0xFFFFFF90] =	vst v8  }
0xef: {  	[tilespmem:s26+$0xFFFFFE20] =	vst v13  }
0xf0: {  	[tilespmem:s26+$0xFFFFFEA0] =	vst v15  }
0xf1: {  	[tilespmem:s26+$0xFFFFFF20] =	vst v16  }
0xf2: {  	[tilespmem:s26+$0xFFFFFFA0] =	vst v10  }
0xf3: {  	[tilespmem:s26+$0xFFFFFE30] =	vst v17  }
0xf4: {  	[tilespmem:s26+$0xFFFFFEB0] =	vst v19  }
0xf5: {  	[tilespmem:s26+$0xFFFFFF30] =	vst v20  }
0xf6: {  	[tilespmem:s26+$0xFFFFFFB0] =	vst v14  }
0xf7: {  	[tilespmem:s26+$0xFFFFFE40] =	vst v21  }
0xf8: {  	[tilespmem:s26+$0xFFFFFEC0] =	vst v23  }
0xf9: {  	[tilespmem:s26+$0xFFFFFF40] =	vst v24  }
0xfa: {  	[tilespmem:s26+$0xFFFFFFC0] =	vst v18  }
0xfb: {  	[tilespmem:s26+$0xFFFFFE50] =	vst v25  }
0xfc: {  	[tilespmem:s26+$0xFFFFFED0] =	vst v27  }
0xfd: {  	[tilespmem:s26+$0xFFFFFF50] =	vst v28  }
0xfe: {  	[tilespmem:s26+$0xFFFFFFD0] =	vst v22  }
0xff: {  	[tilespmem:s26+$0xFFFFFE60] =	vst v30  }
0x100: {  	[tilespmem:s26+$0xFFFFFEE0] =	vst v31  }
0x101: {  	[tilespmem:s26+$0xFFFFFF60] =	vst v32  }
0x102: {  	[tilespmem:s26+$0xFFFFFFE0] =	vst v26  }
0x103: {  	[tilespmem:s26+$0xFFFFFE70] =	vst v34  }
0x104: {  	[tilespmem:s26+$0xFFFFFEF0] =	vst v35  }
0x105: {  	p0 =	sne.s32 s24, $0x3C;
	[tilespmem:s26+$0xFFFFFF70] =	vst v36  }
.Ltmp1:
0x106: {  	[tilespmem:s26+$0xFFFFFFF0] =	vst v29;
	(pc) =	sbr.rel @p0 .LBB2_5-.Ltmp1, $4  }
0x107: {  	[tilespmem:s26+$0xFFFFFE80] =	vst v37  }
0x108: {  	[tilespmem:s26+$0xFFFFFF00] =	vst v38  }
0x109: {  	[tilespmem:s26+$0xFFFFFF80] =	vst v39  }
0x10a: {  	s24 =	sadd.s32 $0x4, s24;
	[tilespmem:s26+$0x0] =	vst v33;
	s26 =	sadd.s32 $0x200, s26  }
0x10b: {  	s23 =	sadd.s32 $0x1, s23  }
0x10c: {  	p0 =	sne.s32 s23, $0x64  }
.Ltmp2:
0x10d: {  	s24 =	sshll.u32 s25, $0x12;
	(pc) =	sbr.rel @p0 .LBB2_2-.Ltmp2, $4  }
0x10e: {  	s24 =	sor.u32 s4, s24  }
0x10f: {  	s24 =	sshrl.u32 s24, $0x3  }
0x110: {  	s24 =	sadd.s32 s2, s24  }
0x111: {  	[hbm4b:s24+s8] =	stream.strided.scatter [tilespmem:s19], [sflag:$0x4], $0x2000, s9, s8, $0x38;
	[tilespmem:$0x12600] =	vst v63  }
0x112: {  	s22 =	sadd.s32 $0x1, s22  }
0x113: {  	_ =	swait.ge [sflag:s20], $0x2000;
	p0 =	sne.s32 s22, s7  }
.Ltmp3:
0x114: {  	[sflag:s20] =	ssyncset.done $0x0;
	(pc) =	sbr.rel @p0 .LBB2_1-.Ltmp3, $4  }
0x115: {  	[sflag:s20] =	ssyncadd.s32 $0xFFFFE000  }
0x116: {  	_ =	swait.ge [sflag:s21], $0x2000  }
0x117: {  	[sflag:s21] =	ssyncset.done $0x0  }
0x118: {  	[sflag:s21] =	ssyncadd.s32 $0xFFFFE000  }
0x119: {  	_ =	sfence.sel $0x180000  }
0x11a: {  	[bflag:$0x0] =	sbarrier.arrive $0xFFFF  }
0x11b: {  	p0 =	sne.s32 s1, $0x0;
	_ =	strace $0x90000047  }
0x11c: {  	s0 =	sadd.s32 @!p0 $0x100000, s0;
	[bflag:$0x2] =	sbarrier.arrive $0xFFFF  }
0x11d: {  	[sflag:s0] =	ssyncadd.tile.s32 @!p0 $0x1;
	_ =	shalt  }
.Lfunc_end2:
_tile_overlayer_lowered:
.L_overlay_start_2:
0x11e: {  	(tag) =	ssettag $0x2  }
0x11f: {  	s0 =	rddreg [dreg:$0x0];
	s2 =	stileid.u32  }
0x120: {  	s1 =	rddreg [dreg:$0x1];
	p0 =	sne.s32 s2, $0x0  }
0x121: {  	s3 =	rddreg [dreg:$0x2];
	[bflag:$0x3] =	sbarrier.arrive $0xFFFF;
	s2 =	simm.s32 @!p0 $0x1C05  }
0x122: {  	[timem:s3], [sflag:s2] =	dma.local @!p0 [hbm:s0], s1  }
0x123: {  	s0 =	simm.s32 @!p0 $0x5  }
0x124: {  	_ =	swait.ge @!p0 [sflag:s0], s1  }
0x125: {  	s1 =	ssub.s32 @!p0 $0x0, s1;
	[sflag:s0] =	ssyncset.done @!p0 $0x0  }
0x126: {  	[sflag:s0] =	ssyncadd.s32 @!p0 s1  }
0x127: {  	[bflag:$0x3] =	sbarrier.arrive $0xFFFF  }
0x128: {  	_ =	shalt  }

</sc_bundles>
